<compile_context>
chip_gen: v7x
topology: tpu7x:2x2x1
jax: 0.10.2.dev20260603
libtpu: 0.0.44.dev20260713+nightly
codegen_flags: <defaults>
</compile_context>

<pallas_src>
import functools
import jax
import jax.numpy as jnp
from jax import lax
from jax.experimental import pallas as pl
from jax.experimental.pallas import tpu as pltpu
from jax.experimental.pallas import tpu_sc as plsc

_CODEBOOK = 1024
_D = 64
_COMMIT = 0.25



def _argmin_body(z_ref, emb_ref, idx_ref, loss_ref):
    b = pl.program_id(0)
    zb = z_ref[0]
    emb = emb_ref[...]
    zt = zb.T
    zsq = jnp.sum(zt * zt, axis=1)
    esq = jnp.sum(emb * emb, axis=1)
    scores = jax.lax.dot_general(
        zt, emb, (((1,), (1,)), ((), ())),
        preferred_element_type=jnp.float32)
    dist = (zsq[:, None] - 2.0 * scores) + esq[None, :]
    m = jnp.min(dist, axis=1, keepdims=True)
    c_iota = jax.lax.broadcasted_iota(jnp.int32, dist.shape, 1)
    idx = jnp.min(jnp.where(dist == m, c_iota, _CODEBOOK), axis=1)
    idx_ref[0, 0, :] = idx
    part = jnp.sum(m)

    @pl.when(b == 0)
    def _init():
        loss_ref[0, 0] = jnp.float32(0.0)

    loss_ref[0, 0] += part



_NC = 2
_NS = 16
_NW = _NC * _NS
_DSPLIT = 2
_DSUB = _D // _DSPLIT
_L = 16


def _make_gather(B, P):
    assert B * _DSPLIT == _NW
    mesh = plsc.VectorSubcoreMesh(core_axis_name="c", subcore_axis_name="s")

    @functools.partial(
        pl.kernel, mesh=mesh,
        compiler_params=pltpu.CompilerParams(
            use_tc_tiling_on_sc=False, needs_layout_passes=False),
        out_type=jax.ShapeDtypeStruct((B, _D, P), jnp.float32),
        scratch_types=[
            pltpu.VMEM((P,), jnp.int32),
            pltpu.VMEM((_DSUB, _CODEBOOK), jnp.float32),
            pltpu.VMEM((_DSUB, P), jnp.float32),
        ],
    )
    def gather_k(embt_hbm, idx_hbm, out_hbm, idx_v, tab_v, out_v):
        wid = lax.axis_index("s") * _NC + lax.axis_index("c")
        b = wid % B
        dlo = (wid // B) * _DSUB
        pltpu.sync_copy(idx_hbm.at[b], idx_v)
        pltpu.sync_copy(embt_hbm.at[pl.ds(dlo, _DSUB)], tab_v)

        def step(j, carry):
            col = idx_v[pl.ds(j * _L, _L)]
            for d in range(_DSUB):
                row = jnp.full((_L,), d, jnp.int32)
                out_v[d, pl.ds(j * _L, _L)] = plsc.load_gather(
                    tab_v, [row, col])
            return carry

        lax.fori_loop(0, P // _L, step, 0)
        pltpu.sync_copy(out_v, out_hbm.at[b, pl.ds(dlo, _DSUB)])

    return gather_k


def kernel(z, embedding):
    B, D, H, W = z.shape
    P = H * W
    N = B * P
    z3 = z.reshape(B, D, P)

    idx3, loss_raw = pl.pallas_call(
        _argmin_body,
        grid=(B,),
        in_specs=[
            pl.BlockSpec((1, D, P), lambda b: (b, 0, 0)),
            pl.BlockSpec((_CODEBOOK, D), lambda b: (0, 0)),
        ],
        out_specs=[
            pl.BlockSpec((1, 1, P), lambda b: (b, 0, 0)),
            pl.BlockSpec((1, 1), lambda b: (0, 0),
                         memory_space=pltpu.SMEM),
        ],
        out_shape=[
            jax.ShapeDtypeStruct((B, 1, P), jnp.int32),
            jax.ShapeDtypeStruct((1, 1), jnp.float32),
        ],
    )(z3, embedding)

    emb_t = embedding.T
    zq3 = _make_gather(B, P)(emb_t, idx3.reshape(B, P))

    z_q = zq3.reshape(B, D, H, W)
    indices = idx3.reshape(B, H, W)
    loss = loss_raw[0, 0] * (_COMMIT / (N * D))
    return (z_q, loss, indices)

# --- scband reference (transcript-rebuilt; emitter-appended) ---
"""Pipeline reference for scband-vector-quantizer-76433237999783 (READ-ONLY COPY).

The authoritative reference and input builder live on the scoring server;
editing this copy changes nothing except your own understanding.
"""

import jax, jax.numpy as jnp
import numpy as np

CODEBOOK_SIZE = 1024
EMBED_DIM = 64
COMMITMENT = 0.25


def setup_inputs(seed: int = 0) -> dict:
    key = jax.random.key(seed)
    k1, k2 = jax.random.split(key)
    z = jax.random.normal(k1, (16, 64, 32, 32), dtype=jnp.float32)
    embedding = jax.random.uniform(
        k2, (CODEBOOK_SIZE, EMBED_DIM), dtype=jnp.float32,
        minval=-1.0 / CODEBOOK_SIZE, maxval=1.0 / CODEBOOK_SIZE)
    return {"z": z, "embedding": embedding}


def reference(z, embedding):
    B, D, H, W = z.shape
    z_flat = jnp.transpose(z, (0, 2, 3, 1)).reshape(-1, D)
    dist = (jnp.sum(z_flat ** 2, axis=1, keepdims=True)
            - 2.0 * (z_flat @ embedding.T)
            + jnp.sum(embedding ** 2, axis=1))
    idx_flat = jnp.argmin(dist, axis=1)
    z_q_flat = jnp.take(embedding, idx_flat, axis=0)
    loss = COMMITMENT * jnp.mean((z_flat - jax.lax.stop_gradient(z_q_flat)) ** 2)
    z_q_flat_st = z_flat + jax.lax.stop_gradient(z_q_flat - z_flat)
    z_q = jnp.transpose(z_q_flat_st.reshape(B, H, W, D), (0, 3, 1, 2))
    indices = idx_flat.reshape(B, H, W)
    return (z_q, loss, indices)

if __name__ == "__main__":
    import jax
    _d = setup_inputs()
    print(jax.jit(kernel)(*tuple(_d.values())))

</pallas_src>

<mosaic_0001>
#map = affine_map<(d0, d1) -> (0, 0)>
#map1 = affine_map<(d0, d1) -> (0, 0, 0)>
module attributes {stable_mosaic.version = 14 : i64} {
  func.func @gather_k(%arg0: i32, %arg1: i32, %arg2: memref<64x1024xf32, #tpu.memory_space<hbm>>, %arg3: memref<16x1024xi32, #tpu.memory_space<hbm>>, %arg4: memref<16x64x1024xf32, #tpu.memory_space<hbm>>, %arg5: memref<1024xi32, #tpu.memory_space<vmem>>, %arg6: memref<32x1024xf32, #tpu.memory_space<vmem>>, %arg7: memref<32x1024xf32, #tpu.memory_space<vmem>>) attributes {dimension_semantics = [#tpu.dimension_semantics<core_parallel>, #tpu.dimension_semantics<subcore_parallel>], iteration_bounds = array<i64: 2, 16>, scalar_prefetch = 0 : i64, scratch_operands = 3 : i64, tpu.core_type = #tpu.core_type<sc_vector_subcore>, window_params = [{transform_indices = #map}, {transform_indices = #map}, {transform_indices = #map1}]} {
    %mul3A = arith.constant 2 : i32
    %mul3A_0 = arith.muli %arg1, %mul3A : i32
    %add3A = arith.addi %mul3A_0, %arg0 : i32
    %jit3A = arith.constant 16 : i32
    %eq3A = arith.constant 0 : i32
    %eq3A_1 = arith.cmpi eq, %jit3A, %eq3A : i32
    %jit3A_2 = arith.constant 1 : i32
    %select_n3A = arith.select %eq3A_1, %jit3A_2, %jit3A : i32
    %rem3A = arith.remsi %add3A, %select_n3A : i32
    %ne3A = arith.constant 0 : i32
    %ne3A_3 = arith.cmpi ne, %rem3A, %ne3A : i32
    %lt3A = arith.constant 0 : i32
    %lt3A_4 = arith.cmpi slt, %rem3A, %lt3A : i32
    %lt3A_5 = arith.constant 0 : i32
    %lt3A_6 = arith.cmpi slt, %select_n3A, %lt3A_5 : i32
    %ne3A_7 = arith.xori %lt3A_4, %lt3A_6 : i1
    %and3A = arith.andi %ne3A_7, %ne3A_3 : i1
    %add3A_8 = arith.addi %rem3A, %select_n3A : i32
    %select_n3A_9 = arith.select %and3A, %add3A_8, %rem3A : i32
    %jit3A_10 = arith.constant 16 : i32
    %div3A = arith.divsi %add3A, %jit3A_10 : i32
    %sign3A = arith.constant 0 : i32
    %sign3A_11 = arith.cmpi sgt, %add3A, %sign3A : i32
    %sign3A_12 = arith.extui %sign3A_11 : i1 to i32
    %sign3A_13 = arith.constant 0 : i32
    %sign3A_14 = arith.cmpi slt, %add3A, %sign3A_13 : i32
    %sign3A_15 = arith.extui %sign3A_14 : i1 to i32
    %sign3A_16 = arith.subi %sign3A_12, %sign3A_15 : i32
    %sign3A_17 = arith.constant 0 : i32
    %sign3A_18 = arith.cmpi sgt, %jit3A_10, %sign3A_17 : i32
    %sign3A_19 = arith.extui %sign3A_18 : i1 to i32
    %sign3A_20 = arith.constant 0 : i32
    %sign3A_21 = arith.cmpi slt, %jit3A_10, %sign3A_20 : i32
    %sign3A_22 = arith.extui %sign3A_21 : i1 to i32
    %sign3A_23 = arith.subi %sign3A_19, %sign3A_22 : i32
    %ne3A_24 = arith.cmpi ne, %sign3A_16, %sign3A_23 : i32
    %rem3A_25 = arith.remsi %add3A, %jit3A_10 : i32
    %ne3A_26 = arith.constant 0 : i32
    %ne3A_27 = arith.cmpi ne, %rem3A_25, %ne3A_26 : i32
    %and3A_28 = arith.andi %ne3A_24, %ne3A_27 : i1
    %sub3A = arith.constant 1 : i32
    %sub3A_29 = arith.subi %div3A, %sub3A : i32
    %select_n3A_30 = arith.select %and3A_28, %sub3A_29, %div3A : i32
    %mul3A_31 = arith.constant 32 : i32
    %mul3A_32 = arith.muli %select_n3A_30, %mul3A_31 : i32
    "tpu.region"() ({
      %run_scoped3A = tpu.sem_alloc : memref<!tpu.dma_semaphore, #tpu.memory_space<semaphore_mem>>
      %dma_start3A = arith.constant 0 : i32
      %dma_start3A_38 = tpu.memref_slice %arg3[%select_n3A_9, %dma_start3A] : memref<16x1024xi32, #tpu.memory_space<hbm>> -> memref<1x1024xi32, #tpu.memory_space<hbm>>
      %dma_start3A_39 = tpu.memref_squeeze %dma_start3A_38 : memref<1x1024xi32, #tpu.memory_space<hbm>> -> memref<1024xi32, #tpu.memory_space<hbm>>
      %dma_start3A_40 = arith.constant 0 : i32
      %dma_start3A_41 = tpu.memref_slice %arg3[%select_n3A_9, %dma_start3A_40] : memref<16x1024xi32, #tpu.memory_space<hbm>> -> memref<1x1024xi32, #tpu.memory_space<hbm>>
      %dma_start3A_42 = tpu.memref_squeeze %dma_start3A_41 : memref<1x1024xi32, #tpu.memory_space<hbm>> -> memref<1024xi32, #tpu.memory_space<hbm>>
      tpu.enqueue_dma source(%dma_start3A_42 : memref<1024xi32, #tpu.memory_space<hbm>>) target(%arg5 : memref<1024xi32, #tpu.memory_space<vmem>>) target_semaphore(%run_scoped3A : memref<!tpu.dma_semaphore, #tpu.memory_space<semaphore_mem>>)
      %dma_wait3A = arith.constant 0 : i32
      %dma_wait3A_43 = tpu.memref_slice %arg3[%select_n3A_9, %dma_wait3A] : memref<16x1024xi32, #tpu.memory_space<hbm>> -> memref<1x1024xi32, #tpu.memory_space<hbm>>
      %dma_wait3A_44 = tpu.memref_squeeze %dma_wait3A_43 : memref<1x1024xi32, #tpu.memory_space<hbm>> -> memref<1024xi32, #tpu.memory_space<hbm>>
      %dma_wait3A_45 = arith.constant 0 : i32
      %dma_wait3A_46 = tpu.memref_slice %arg3[%select_n3A_9, %dma_wait3A_45] : memref<16x1024xi32, #tpu.memory_space<hbm>> -> memref<1x1024xi32, #tpu.memory_space<hbm>>
      %dma_wait3A_47 = tpu.memref_squeeze %dma_wait3A_46 : memref<1x1024xi32, #tpu.memory_space<hbm>> -> memref<1024xi32, #tpu.memory_space<hbm>>
      tpu.wait_dma2 semaphore(%run_scoped3A : memref<!tpu.dma_semaphore, #tpu.memory_space<semaphore_mem>>) src(%dma_wait3A_47 : memref<1024xi32, #tpu.memory_space<hbm>>) dst(%arg5 : memref<1024xi32, #tpu.memory_space<vmem>>)
      tpu.yield
    }) : () -> ()
    "tpu.region"() ({
      %run_scoped3A = tpu.sem_alloc : memref<!tpu.dma_semaphore, #tpu.memory_space<semaphore_mem>>
      %dma_start3A = arith.constant 0 : i32
      %dma_start3A_38 = tpu.memref_slice %arg2[%mul3A_32, %dma_start3A] : memref<64x1024xf32, #tpu.memory_space<hbm>> -> memref<32x1024xf32, #tpu.memory_space<hbm>>
      %dma_start3A_39 = arith.constant 0 : i32
      %dma_start3A_40 = tpu.memref_slice %arg2[%mul3A_32, %dma_start3A_39] : memref<64x1024xf32, #tpu.memory_space<hbm>> -> memref<32x1024xf32, #tpu.memory_space<hbm>>
      tpu.enqueue_dma source(%dma_start3A_40 : memref<32x1024xf32, #tpu.memory_space<hbm>>) target(%arg6 : memref<32x1024xf32, #tpu.memory_space<vmem>>) target_semaphore(%run_scoped3A : memref<!tpu.dma_semaphore, #tpu.memory_space<semaphore_mem>>)
      %dma_wait3A = arith.constant 0 : i32
      %dma_wait3A_41 = tpu.memref_slice %arg2[%mul3A_32, %dma_wait3A] : memref<64x1024xf32, #tpu.memory_space<hbm>> -> memref<32x1024xf32, #tpu.memory_space<hbm>>
      %dma_wait3A_42 = arith.constant 0 : i32
      %dma_wait3A_43 = tpu.memref_slice %arg2[%mul3A_32, %dma_wait3A_42] : memref<64x1024xf32, #tpu.memory_space<hbm>> -> memref<32x1024xf32, #tpu.memory_space<hbm>>
      tpu.wait_dma2 semaphore(%run_scoped3A : memref<!tpu.dma_semaphore, #tpu.memory_space<semaphore_mem>>) src(%dma_wait3A_43 : memref<32x1024xf32, #tpu.memory_space<hbm>>) dst(%arg6 : memref<32x1024xf32, #tpu.memory_space<vmem>>)
      tpu.yield
    }) : () -> ()
    %scan3A = arith.constant 0 : i32
    %scan3A_33 = arith.constant 0 : i32
    %scan3A_34 = arith.constant 64 : i32
    %scan3A_35 = arith.addi %scan3A_33, %scan3A_34 : i32
    %scan3A_36 = arith.constant 1 : i32
    scf.for %scan3A_38 = %scan3A_33 to %scan3A_35 step %scan3A_36  : i32 {
      %mul3A_39 = arith.constant 16 : i32
      %mul3A_40 = arith.muli %scan3A_38, %mul3A_39 : i32
      %get3A = arith.index_cast %mul3A_40 : i32 to index
      %get3A_41 = tpu.vector_load %arg5[%get3A] {strides = array<i32>} : memref<1024xi32, #tpu.memory_space<vmem>>, vector<16xi32>,
      %broadcast_in_dim3A = arith.constant 0 : i32
      %broadcast_in_dim3A_42 = vector.broadcast %broadcast_in_dim3A : i32 to vector<16xi32>
      %gather3A = tpu.vector_load_idx %arg6[%broadcast_in_dim3A_42, %get3A_41] : memref<32x1024xf32, #tpu.memory_space<vmem>>[vector<16xi32>, vector<16xi32>], vector<16xf32>,
      %mul3A_43 = arith.constant 16 : i32
      %mul3A_44 = arith.muli %scan3A_38, %mul3A_43 : i32
      %swap3A = arith.constant 0 : i32
      %swap3A_45 = arith.index_cast %swap3A : i32 to index
      %swap3A_46 = arith.index_cast %mul3A_44 : i32 to index
      %swap3A_47 = tpu.vector_load %arg7[%swap3A_45, %swap3A_46] {strides = array<i32>} : memref<32x1024xf32, #tpu.memory_space<vmem>>, vector<16xf32>,
      tpu.vector_store %arg7[%swap3A_45, %swap3A_46], %gather3A {strides = array<i32>} : memref<32x1024xf32, #tpu.memory_space<vmem>>, vector<16xf32>,
      %broadcast_in_dim3A_48 = arith.constant 1 : i32
      %broadcast_in_dim3A_49 = vector.broadcast %broadcast_in_dim3A_48 : i32 to vector<16xi32>
      %gather3A_50 = tpu.vector_load_idx %arg6[%broadcast_in_dim3A_49, %get3A_41] : memref<32x1024xf32, #tpu.memory_space<vmem>>[vector<16xi32>, vector<16xi32>], vector<16xf32>,
      %mul3A_51 = arith.constant 16 : i32
      %mul3A_52 = arith.muli %scan3A_38, %mul3A_51 : i32
      %swap3A_53 = arith.constant 1 : i32
      %swap3A_54 = arith.index_cast %swap3A_53 : i32 to index
      %swap3A_55 = arith.index_cast %mul3A_52 : i32 to index
      %swap3A_56 = tpu.vector_load %arg7[%swap3A_54, %swap3A_55] {strides = array<i32>} : memref<32x1024xf32, #tpu.memory_space<vmem>>, vector<16xf32>,
      tpu.vector_store %arg7[%swap3A_54, %swap3A_55], %gather3A_50 {strides = array<i32>} : memref<32x1024xf32, #tpu.memory_space<vmem>>, vector<16xf32>,
      %broadcast_in_dim3A_57 = arith.constant 2 : i32
      %broadcast_in_dim3A_58 = vector.broadcast %broadcast_in_dim3A_57 : i32 to vector<16xi32>
      %gather3A_59 = tpu.vector_load_idx %arg6[%broadcast_in_dim3A_58, %get3A_41] : memref<32x1024xf32, #tpu.memory_space<vmem>>[vector<16xi32>, vector<16xi32>], vector<16xf32>,
      %mul3A_60 = arith.constant 16 : i32
      %mul3A_61 = arith.muli %scan3A_38, %mul3A_60 : i32
      %swap3A_62 = arith.constant 2 : i32
      %swap3A_63 = arith.index_cast %swap3A_62 : i32 to index
      %swap3A_64 = arith.index_cast %mul3A_61 : i32 to index
      %swap3A_65 = tpu.vector_load %arg7[%swap3A_63, %swap3A_64] {strides = array<i32>} : memref<32x1024xf32, #tpu.memory_space<vmem>>, vector<16xf32>,
      tpu.vector_store %arg7[%swap3A_63, %swap3A_64], %gather3A_59 {strides = array<i32>} : memref<32x1024xf32, #tpu.memory_space<vmem>>, vector<16xf32>,
      %broadcast_in_dim3A_66 = arith.constant 3 : i32
      %broadcast_in_dim3A_67 = vector.broadcast %broadcast_in_dim3A_66 : i32 to vector<16xi32>
      %gather3A_68 = tpu.vector_load_idx %arg6[%broadcast_in_dim3A_67, %get3A_41] : memref<32x1024xf32, #tpu.memory_space<vmem>>[vector<16xi32>, vector<16xi32>], vector<16xf32>,
      %mul3A_69 = arith.constant 16 : i32
      %mul3A_70 = arith.muli %scan3A_38, %mul3A_69 : i32
      %swap3A_71 = arith.constant 3 : i32
      %swap3A_72 = arith.index_cast %swap3A_71 : i32 to index
      %swap3A_73 = arith.index_cast %mul3A_70 : i32 to index
      %swap3A_74 = tpu.vector_load %arg7[%swap3A_72, %swap3A_73] {strides = array<i32>} : memref<32x1024xf32, #tpu.memory_space<vmem>>, vector<16xf32>,
      tpu.vector_store %arg7[%swap3A_72, %swap3A_73], %gather3A_68 {strides = array<i32>} : memref<32x1024xf32, #tpu.memory_space<vmem>>, vector<16xf32>,
      %broadcast_in_dim3A_75 = arith.constant 4 : i32
      %broadcast_in_dim3A_76 = vector.broadcast %broadcast_in_dim3A_75 : i32 to vector<16xi32>
      %gather3A_77 = tpu.vector_load_idx %arg6[%broadcast_in_dim3A_76, %get3A_41] : memref<32x1024xf32, #tpu.memory_space<vmem>>[vector<16xi32>, vector<16xi32>], vector<16xf32>,
      %mul3A_78 = arith.constant 16 : i32
      %mul3A_79 = arith.muli %scan3A_38, %mul3A_78 : i32
      %swap3A_80 = arith.constant 4 : i32
      %swap3A_81 = arith.index_cast %swap3A_80 : i32 to index
      %swap3A_82 = arith.index_cast %mul3A_79 : i32 to index
      %swap3A_83 = tpu.vector_load %arg7[%swap3A_81, %swap3A_82] {strides = array<i32>} : memref<32x1024xf32, #tpu.memory_space<vmem>>, vector<16xf32>,
      tpu.vector_store %arg7[%swap3A_81, %swap3A_82], %gather3A_77 {strides = array<i32>} : memref<32x1024xf32, #tpu.memory_space<vmem>>, vector<16xf32>,
      %broadcast_in_dim3A_84 = arith.constant 5 : i32
      %broadcast_in_dim3A_85 = vector.broadcast %broadcast_in_dim3A_84 : i32 to vector<16xi32>
      %gather3A_86 = tpu.vector_load_idx %arg6[%broadcast_in_dim3A_85, %get3A_41] : memref<32x1024xf32, #tpu.memory_space<vmem>>[vector<16xi32>, vector<16xi32>], vector<16xf32>,
      %mul3A_87 = arith.constant 16 : i32
      %mul3A_88 = arith.muli %scan3A_38, %mul3A_87 : i32
      %swap3A_89 = arith.constant 5 : i32
      %swap3A_90 = arith.index_cast %swap3A_89 : i32 to index
      %swap3A_91 = arith.index_cast %mul3A_88 : i32 to index
      %swap3A_92 = tpu.vector_load %arg7[%swap3A_90, %swap3A_91] {strides = array<i32>} : memref<32x1024xf32, #tpu.memory_space<vmem>>, vector<16xf32>,
      tpu.vector_store %arg7[%swap3A_90, %swap3A_91], %gather3A_86 {strides = array<i32>} : memref<32x1024xf32, #tpu.memory_space<vmem>>, vector<16xf32>,
      %broadcast_in_dim3A_93 = arith.constant 6 : i32
      %broadcast_in_dim3A_94 = vector.broadcast %broadcast_in_dim3A_93 : i32 to vector<16xi32>
      %gather3A_95 = tpu.vector_load_idx %arg6[%broadcast_in_dim3A_94, %get3A_41] : memref<32x1024xf32, #tpu.memory_space<vmem>>[vector<16xi32>, vector<16xi32>], vector<16xf32>,
      %mul3A_96 = arith.constant 16 : i32
      %mul3A_97 = arith.muli %scan3A_38, %mul3A_96 : i32
      %swap3A_98 = arith.constant 6 : i32
      %swap3A_99 = arith.index_cast %swap3A_98 : i32 to index
      %swap3A_100 = arith.index_cast %mul3A_97 : i32 to index
      %swap3A_101 = tpu.vector_load %arg7[%swap3A_99, %swap3A_100] {strides = array<i32>} : memref<32x1024xf32, #tpu.memory_space<vmem>>, vector<16xf32>,
      tpu.vector_store %arg7[%swap3A_99, %swap3A_100], %gather3A_95 {strides = array<i32>} : memref<32x1024xf32, #tpu.memory_space<vmem>>, vector<16xf32>,
      %broadcast_in_dim3A_102 = arith.constant 7 : i32
      %broadcast_in_dim3A_103 = vector.broadcast %broadcast_in_dim3A_102 : i32 to vector<16xi32>
      %gather3A_104 = tpu.vector_load_idx %arg6[%broadcast_in_dim3A_103, %get3A_41] : memref<32x1024xf32, #tpu.memory_space<vmem>>[vector<16xi32>, vector<16xi32>], vector<16xf32>,
      %mul3A_105 = arith.constant 16 : i32
      %mul3A_106 = arith.muli %scan3A_38, %mul3A_105 : i32
      %swap3A_107 = arith.constant 7 : i32
      %swap3A_108 = arith.index_cast %swap3A_107 : i32 to index
      %swap3A_109 = arith.index_cast %mul3A_106 : i32 to index
      %swap3A_110 = tpu.vector_load %arg7[%swap3A_108, %swap3A_109] {strides = array<i32>} : memref<32x1024xf32, #tpu.memory_space<vmem>>, vector<16xf32>,
      tpu.vector_store %arg7[%swap3A_108, %swap3A_109], %gather3A_104 {strides = array<i32>} : memref<32x1024xf32, #tpu.memory_space<vmem>>, vector<16xf32>,
      %broadcast_in_dim3A_111 = arith.constant 8 : i32
      %broadcast_in_dim3A_112 = vector.broadcast %broadcast_in_dim3A_111 : i32 to vector<16xi32>
      %gather3A_113 = tpu.vector_load_idx %arg6[%broadcast_in_dim3A_112, %get3A_41] : memref<32x1024xf32, #tpu.memory_space<vmem>>[vector<16xi32>, vector<16xi32>], vector<16xf32>,
      %mul3A_114 = arith.constant 16 : i32
      %mul3A_115 = arith.muli %scan3A_38, %mul3A_114 : i32
      %swap3A_116 = arith.constant 8 : i32
      %swap3A_117 = arith.index_cast %swap3A_116 : i32 to index
      %swap3A_118 = arith.index_cast %mul3A_115 : i32 to index
      %swap3A_119 = tpu.vector_load %arg7[%swap3A_117, %swap3A_118] {strides = array<i32>} : memref<32x1024xf32, #tpu.memory_space<vmem>>, vector<16xf32>,
      tpu.vector_store %arg7[%swap3A_117, %swap3A_118], %gather3A_113 {strides = array<i32>} : memref<32x1024xf32, #tpu.memory_space<vmem>>, vector<16xf32>,
      %broadcast_in_dim3A_120 = arith.constant 9 : i32
      %broadcast_in_dim3A_121 = vector.broadcast %broadcast_in_dim3A_120 : i32 to vector<16xi32>
      %gather3A_122 = tpu.vector_load_idx %arg6[%broadcast_in_dim3A_121, %get3A_41] : memref<32x1024xf32, #tpu.memory_space<vmem>>[vector<16xi32>, vector<16xi32>], vector<16xf32>,
      %mul3A_123 = arith.constant 16 : i32
      %mul3A_124 = arith.muli %scan3A_38, %mul3A_123 : i32
      %swap3A_125 = arith.constant 9 : i32
      %swap3A_126 = arith.index_cast %swap3A_125 : i32 to index
      %swap3A_127 = arith.index_cast %mul3A_124 : i32 to index
      %swap3A_128 = tpu.vector_load %arg7[%swap3A_126, %swap3A_127] {strides = array<i32>} : memref<32x1024xf32, #tpu.memory_space<vmem>>, vector<16xf32>,
      tpu.vector_store %arg7[%swap3A_126, %swap3A_127], %gather3A_122 {strides = array<i32>} : memref<32x1024xf32, #tpu.memory_space<vmem>>, vector<16xf32>,
      %broadcast_in_dim3A_129 = arith.constant 10 : i32
      %broadcast_in_dim3A_130 = vector.broadcast %broadcast_in_dim3A_129 : i32 to vector<16xi32>
      %gather3A_131 = tpu.vector_load_idx %arg6[%broadcast_in_dim3A_130, %get3A_41] : memref<32x1024xf32, #tpu.memory_space<vmem>>[vector<16xi32>, vector<16xi32>], vector<16xf32>,
      %mul3A_132 = arith.constant 16 : i32
      %mul3A_133 = arith.muli %scan3A_38, %mul3A_132 : i32
      %swap3A_134 = arith.constant 10 : i32
      %swap3A_135 = arith.index_cast %swap3A_134 : i32 to index
      %swap3A_136 = arith.index_cast %mul3A_133 : i32 to index
      %swap3A_137 = tpu.vector_load %arg7[%swap3A_135, %swap3A_136] {strides = array<i32>} : memref<32x1024xf32, #tpu.memory_space<vmem>>, vector<16xf32>,
      tpu.vector_store %arg7[%swap3A_135, %swap3A_136], %gather3A_131 {strides = array<i32>} : memref<32x1024xf32, #tpu.memory_space<vmem>>, vector<16xf32>,
      %broadcast_in_dim3A_138 = arith.constant 11 : i32
      %broadcast_in_dim3A_139 = vector.broadcast %broadcast_in_dim3A_138 : i32 to vector<16xi32>
      %gather3A_140 = tpu.vector_load_idx %arg6[%broadcast_in_dim3A_139, %get3A_41] : memref<32x1024xf32, #tpu.memory_space<vmem>>[vector<16xi32>, vector<16xi32>], vector<16xf32>,
      %mul3A_141 = arith.constant 16 : i32
      %mul3A_142 = arith.muli %scan3A_38, %mul3A_141 : i32
      %swap3A_143 = arith.constant 11 : i32
      %swap3A_144 = arith.index_cast %swap3A_143 : i32 to index
      %swap3A_145 = arith.index_cast %mul3A_142 : i32 to index
      %swap3A_146 = tpu.vector_load %arg7[%swap3A_144, %swap3A_145] {strides = array<i32>} : memref<32x1024xf32, #tpu.memory_space<vmem>>, vector<16xf32>,
      tpu.vector_store %arg7[%swap3A_144, %swap3A_145], %gather3A_140 {strides = array<i32>} : memref<32x1024xf32, #tpu.memory_space<vmem>>, vector<16xf32>,
      %broadcast_in_dim3A_147 = arith.constant 12 : i32
      %broadcast_in_dim3A_148 = vector.broadcast %broadcast_in_dim3A_147 : i32 to vector<16xi32>
      %gather3A_149 = tpu.vector_load_idx %arg6[%broadcast_in_dim3A_148, %get3A_41] : memref<32x1024xf32, #tpu.memory_space<vmem>>[vector<16xi32>, vector<16xi32>], vector<16xf32>,
      %mul3A_150 = arith.constant 16 : i32
      %mul3A_151 = arith.muli %scan3A_38, %mul3A_150 : i32
      %swap3A_152 = arith.constant 12 : i32
      %swap3A_153 = arith.index_cast %swap3A_152 : i32 to index
      %swap3A_154 = arith.index_cast %mul3A_151 : i32 to index
      %swap3A_155 = tpu.vector_load %arg7[%swap3A_153, %swap3A_154] {strides = array<i32>} : memref<32x1024xf32, #tpu.memory_space<vmem>>, vector<16xf32>,
      tpu.vector_store %arg7[%swap3A_153, %swap3A_154], %gather3A_149 {strides = array<i32>} : memref<32x1024xf32, #tpu.memory_space<vmem>>, vector<16xf32>,
      %broadcast_in_dim3A_156 = arith.constant 13 : i32
      %broadcast_in_dim3A_157 = vector.broadcast %broadcast_in_dim3A_156 : i32 to vector<16xi32>
      %gather3A_158 = tpu.vector_load_idx %arg6[%broadcast_in_dim3A_157, %get3A_41] : memref<32x1024xf32, #tpu.memory_space<vmem>>[vector<16xi32>, vector<16xi32>], vector<16xf32>,
      %mul3A_159 = arith.constant 16 : i32
      %mul3A_160 = arith.muli %scan3A_38, %mul3A_159 : i32
      %swap3A_161 = arith.constant 13 : i32
      %swap3A_162 = arith.index_cast %swap3A_161 : i32 to index
      %swap3A_163 = arith.index_cast %mul3A_160 : i32 to index
      %swap3A_164 = tpu.vector_load %arg7[%swap3A_162, %swap3A_163] {strides = array<i32>} : memref<32x1024xf32, #tpu.memory_space<vmem>>, vector<16xf32>,
      tpu.vector_store %arg7[%swap3A_162, %swap3A_163], %gather3A_158 {strides = array<i32>} : memref<32x1024xf32, #tpu.memory_space<vmem>>, vector<16xf32>,
      %broadcast_in_dim3A_165 = arith.constant 14 : i32
      %broadcast_in_dim3A_166 = vector.broadcast %broadcast_in_dim3A_165 : i32 to vector<16xi32>
      %gather3A_167 = tpu.vector_load_idx %arg6[%broadcast_in_dim3A_166, %get3A_41] : memref<32x1024xf32, #tpu.memory_space<vmem>>[vector<16xi32>, vector<16xi32>], vector<16xf32>,
      %mul3A_168 = arith.constant 16 : i32
      %mul3A_169 = arith.muli %scan3A_38, %mul3A_168 : i32
      %swap3A_170 = arith.constant 14 : i32
      %swap3A_171 = arith.index_cast %swap3A_170 : i32 to index
      %swap3A_172 = arith.index_cast %mul3A_169 : i32 to index
      %swap3A_173 = tpu.vector_load %arg7[%swap3A_171, %swap3A_172] {strides = array<i32>} : memref<32x1024xf32, #tpu.memory_space<vmem>>, vector<16xf32>,
      tpu.vector_store %arg7[%swap3A_171, %swap3A_172], %gather3A_167 {strides = array<i32>} : memref<32x1024xf32, #tpu.memory_space<vmem>>, vector<16xf32>,
      %broadcast_in_dim3A_174 = arith.constant 15 : i32
      %broadcast_in_dim3A_175 = vector.broadcast %broadcast_in_dim3A_174 : i32 to vector<16xi32>
      %gather3A_176 = tpu.vector_load_idx %arg6[%broadcast_in_dim3A_175, %get3A_41] : memref<32x1024xf32, #tpu.memory_space<vmem>>[vector<16xi32>, vector<16xi32>], vector<16xf32>,
      %mul3A_177 = arith.constant 16 : i32
      %mul3A_178 = arith.muli %scan3A_38, %mul3A_177 : i32
      %swap3A_179 = arith.constant 15 : i32
      %swap3A_180 = arith.index_cast %swap3A_179 : i32 to index
      %swap3A_181 = arith.index_cast %mul3A_178 : i32 to index
      %swap3A_182 = tpu.vector_load %arg7[%swap3A_180, %swap3A_181] {strides = array<i32>} : memref<32x1024xf32, #tpu.memory_space<vmem>>, vector<16xf32>,
      tpu.vector_store %arg7[%swap3A_180, %swap3A_181], %gather3A_176 {strides = array<i32>} : memref<32x1024xf32, #tpu.memory_space<vmem>>, vector<16xf32>,
      %broadcast_in_dim3A_183 = arith.constant 16 : i32
      %broadcast_in_dim3A_184 = vector.broadcast %broadcast_in_dim3A_183 : i32 to vector<16xi32>
      %gather3A_185 = tpu.vector_load_idx %arg6[%broadcast_in_dim3A_184, %get3A_41] : memref<32x1024xf32, #tpu.memory_space<vmem>>[vector<16xi32>, vector<16xi32>], vector<16xf32>,
      %mul3A_186 = arith.constant 16 : i32
      %mul3A_187 = arith.muli %scan3A_38, %mul3A_186 : i32
      %swap3A_188 = arith.constant 16 : i32
      %swap3A_189 = arith.index_cast %swap3A_188 : i32 to index
      %swap3A_190 = arith.index_cast %mul3A_187 : i32 to index
      %swap3A_191 = tpu.vector_load %arg7[%swap3A_189, %swap3A_190] {strides = array<i32>} : memref<32x1024xf32, #tpu.memory_space<vmem>>, vector<16xf32>,
      tpu.vector_store %arg7[%swap3A_189, %swap3A_190], %gather3A_185 {strides = array<i32>} : memref<32x1024xf32, #tpu.memory_space<vmem>>, vector<16xf32>,
      %broadcast_in_dim3A_192 = arith.constant 17 : i32
      %broadcast_in_dim3A_193 = vector.broadcast %broadcast_in_dim3A_192 : i32 to vector<16xi32>
      %gather3A_194 = tpu.vector_load_idx %arg6[%broadcast_in_dim3A_193, %get3A_41] : memref<32x1024xf32, #tpu.memory_space<vmem>>[vector<16xi32>, vector<16xi32>], vector<16xf32>,
      %mul3A_195 = arith.constant 16 : i32
      %mul3A_196 = arith.muli %scan3A_38, %mul3A_195 : i32
      %swap3A_197 = arith.constant 17 : i32
      %swap3A_198 = arith.index_cast %swap3A_197 : i32 to index
      %swap3A_199 = arith.index_cast %mul3A_196 : i32 to index
      %swap3A_200 = tpu.vector_load %arg7[%swap3A_198, %swap3A_199] {strides = array<i32>} : memref<32x1024xf32, #tpu.memory_space<vmem>>, vector<16xf32>,
      tpu.vector_store %arg7[%swap3A_198, %swap3A_199], %gather3A_194 {strides = array<i32>} : memref<32x1024xf32, #tpu.memory_space<vmem>>, vector<16xf32>,
      %broadcast_in_dim3A_201 = arith.constant 18 : i32
      %broadcast_in_dim3A_202 = vector.broadcast %broadcast_in_dim3A_201 : i32 to vector<16xi32>
      %gather3A_203 = tpu.vector_load_idx %arg6[%broadcast_in_dim3A_202, %get3A_41] : memref<32x1024xf32, #tpu.memory_space<vmem>>[vector<16xi32>, vector<16xi32>], vector<16xf32>,
      %mul3A_204 = arith.constant 16 : i32
      %mul3A_205 = arith.muli %scan3A_38, %mul3A_204 : i32
      %swap3A_206 = arith.constant 18 : i32
      %swap3A_207 = arith.index_cast %swap3A_206 : i32 to index
      %swap3A_208 = arith.index_cast %mul3A_205 : i32 to index
      %swap3A_209 = tpu.vector_load %arg7[%swap3A_207, %swap3A_208] {strides = array<i32>} : memref<32x1024xf32, #tpu.memory_space<vmem>>, vector<16xf32>,
      tpu.vector_store %arg7[%swap3A_207, %swap3A_208], %gather3A_203 {strides = array<i32>} : memref<32x1024xf32, #tpu.memory_space<vmem>>, vector<16xf32>,
      %broadcast_in_dim3A_210 = arith.constant 19 : i32
      %broadcast_in_dim3A_211 = vector.broadcast %broadcast_in_dim3A_210 : i32 to vector<16xi32>
      %gather3A_212 = tpu.vector_load_idx %arg6[%broadcast_in_dim3A_211, %get3A_41] : memref<32x1024xf32, #tpu.memory_space<vmem>>[vector<16xi32>, vector<16xi32>], vector<16xf32>,
      %mul3A_213 = arith.constant 16 : i32
      %mul3A_214 = arith.muli %scan3A_38, %mul3A_213 : i32
      %swap3A_215 = arith.constant 19 : i32
      %swap3A_216 = arith.index_cast %swap3A_215 : i32 to index
      %swap3A_217 = arith.index_cast %mul3A_214 : i32 to index
      %swap3A_218 = tpu.vector_load %arg7[%swap3A_216, %swap3A_217] {strides = array<i32>} : memref<32x1024xf32, #tpu.memory_space<vmem>>, vector<16xf32>,
      tpu.vector_store %arg7[%swap3A_216, %swap3A_217], %gather3A_212 {strides = array<i32>} : memref<32x1024xf32, #tpu.memory_space<vmem>>, vector<16xf32>,
      %broadcast_in_dim3A_219 = arith.constant 20 : i32
      %broadcast_in_dim3A_220 = vector.broadcast %broadcast_in_dim3A_219 : i32 to vector<16xi32>
      %gather3A_221 = tpu.vector_load_idx %arg6[%broadcast_in_dim3A_220, %get3A_41] : memref<32x1024xf32, #tpu.memory_space<vmem>>[vector<16xi32>, vector<16xi32>], vector<16xf32>,
      %mul3A_222 = arith.constant 16 : i32
      %mul3A_223 = arith.muli %scan3A_38, %mul3A_222 : i32
      %swap3A_224 = arith.constant 20 : i32
      %swap3A_225 = arith.index_cast %swap3A_224 : i32 to index
      %swap3A_226 = arith.index_cast %mul3A_223 : i32 to index
      %swap3A_227 = tpu.vector_load %arg7[%swap3A_225, %swap3A_226] {strides = array<i32>} : memref<32x1024xf32, #tpu.memory_space<vmem>>, vector<16xf32>,
      tpu.vector_store %arg7[%swap3A_225, %swap3A_226], %gather3A_221 {strides = array<i32>} : memref<32x1024xf32, #tpu.memory_space<vmem>>, vector<16xf32>,
      %broadcast_in_dim3A_228 = arith.constant 21 : i32
      %broadcast_in_dim3A_229 = vector.broadcast %broadcast_in_dim3A_228 : i32 to vector<16xi32>
      %gather3A_230 = tpu.vector_load_idx %arg6[%broadcast_in_dim3A_229, %get3A_41] : memref<32x1024xf32, #tpu.memory_space<vmem>>[vector<16xi32>, vector<16xi32>], vector<16xf32>,
      %mul3A_231 = arith.constant 16 : i32
      %mul3A_232 = arith.muli %scan3A_38, %mul3A_231 : i32
      %swap3A_233 = arith.constant 21 : i32
      %swap3A_234 = arith.index_cast %swap3A_233 : i32 to index
      %swap3A_235 = arith.index_cast %mul3A_232 : i32 to index
      %swap3A_236 = tpu.vector_load %arg7[%swap3A_234, %swap3A_235] {strides = array<i32>} : memref<32x1024xf32, #tpu.memory_space<vmem>>, vector<16xf32>,
      tpu.vector_store %arg7[%swap3A_234, %swap3A_235], %gather3A_230 {strides = array<i32>} : memref<32x1024xf32, #tpu.memory_space<vmem>>, vector<16xf32>,
      %broadcast_in_dim3A_237 = arith.constant 22 : i32
      %broadcast_in_dim3A_238 = vector.broadcast %broadcast_in_dim3A_237 : i32 to vector<16xi32>
      %gather3A_239 = tpu.vector_load_idx %arg6[%broadcast_in_dim3A_238, %get3A_41] : memref<32x1024xf32, #tpu.memory_space<vmem>>[vector<16xi32>, vector<16xi32>], vector<16xf32>,
      %mul3A_240 = arith.constant 16 : i32
      %mul3A_241 = arith.muli %scan3A_38, %mul3A_240 : i32
      %swap3A_242 = arith.constant 22 : i32
      %swap3A_243 = arith.index_cast %swap3A_242 : i32 to index
      %swap3A_244 = arith.index_cast %mul3A_241 : i32 to index
      %swap3A_245 = tpu.vector_load %arg7[%swap3A_243, %swap3A_244] {strides = array<i32>} : memref<32x1024xf32, #tpu.memory_space<vmem>>, vector<16xf32>,
      tpu.vector_store %arg7[%swap3A_243, %swap3A_244], %gather3A_239 {strides = array<i32>} : memref<32x1024xf32, #tpu.memory_space<vmem>>, vector<16xf32>,
      %broadcast_in_dim3A_246 = arith.constant 23 : i32
      %broadcast_in_dim3A_247 = vector.broadcast %broadcast_in_dim3A_246 : i32 to vector<16xi32>
      %gather3A_248 = tpu.vector_load_idx %arg6[%broadcast_in_dim3A_247, %get3A_41] : memref<32x1024xf32, #tpu.memory_space<vmem>>[vector<16xi32>, vector<16xi32>], vector<16xf32>,
      %mul3A_249 = arith.constant 16 : i32
      %mul3A_250 = arith.muli %scan3A_38, %mul3A_249 : i32
      %swap3A_251 = arith.constant 23 : i32
      %swap3A_252 = arith.index_cast %swap3A_251 : i32 to index
      %swap3A_253 = arith.index_cast %mul3A_250 : i32 to index
      %swap3A_254 = tpu.vector_load %arg7[%swap3A_252, %swap3A_253] {strides = array<i32>} : memref<32x1024xf32, #tpu.memory_space<vmem>>, vector<16xf32>,
      tpu.vector_store %arg7[%swap3A_252, %swap3A_253], %gather3A_248 {strides = array<i32>} : memref<32x1024xf32, #tpu.memory_space<vmem>>, vector<16xf32>,
      %broadcast_in_dim3A_255 = arith.constant 24 : i32
      %broadcast_in_dim3A_256 = vector.broadcast %broadcast_in_dim3A_255 : i32 to vector<16xi32>
      %gather3A_257 = tpu.vector_load_idx %arg6[%broadcast_in_dim3A_256, %get3A_41] : memref<32x1024xf32, #tpu.memory_space<vmem>>[vector<16xi32>, vector<16xi32>], vector<16xf32>,
      %mul3A_258 = arith.constant 16 : i32
      %mul3A_259 = arith.muli %scan3A_38, %mul3A_258 : i32
      %swap3A_260 = arith.constant 24 : i32
      %swap3A_261 = arith.index_cast %swap3A_260 : i32 to index
      %swap3A_262 = arith.index_cast %mul3A_259 : i32 to index
      %swap3A_263 = tpu.vector_load %arg7[%swap3A_261, %swap3A_262] {strides = array<i32>} : memref<32x1024xf32, #tpu.memory_space<vmem>>, vector<16xf32>,
      tpu.vector_store %arg7[%swap3A_261, %swap3A_262], %gather3A_257 {strides = array<i32>} : memref<32x1024xf32, #tpu.memory_space<vmem>>, vector<16xf32>,
      %broadcast_in_dim3A_264 = arith.constant 25 : i32
      %broadcast_in_dim3A_265 = vector.broadcast %broadcast_in_dim3A_264 : i32 to vector<16xi32>
      %gather3A_266 = tpu.vector_load_idx %arg6[%broadcast_in_dim3A_265, %get3A_41] : memref<32x1024xf32, #tpu.memory_space<vmem>>[vector<16xi32>, vector<16xi32>], vector<16xf32>,
      %mul3A_267 = arith.constant 16 : i32
      %mul3A_268 = arith.muli %scan3A_38, %mul3A_267 : i32
      %swap3A_269 = arith.constant 25 : i32
      %swap3A_270 = arith.index_cast %swap3A_269 : i32 to index
      %swap3A_271 = arith.index_cast %mul3A_268 : i32 to index
      %swap3A_272 = tpu.vector_load %arg7[%swap3A_270, %swap3A_271] {strides = array<i32>} : memref<32x1024xf32, #tpu.memory_space<vmem>>, vector<16xf32>,
      tpu.vector_store %arg7[%swap3A_270, %swap3A_271], %gather3A_266 {strides = array<i32>} : memref<32x1024xf32, #tpu.memory_space<vmem>>, vector<16xf32>,
      %broadcast_in_dim3A_273 = arith.constant 26 : i32
      %broadcast_in_dim3A_274 = vector.broadcast %broadcast_in_dim3A_273 : i32 to vector<16xi32>
      %gather3A_275 = tpu.vector_load_idx %arg6[%broadcast_in_dim3A_274, %get3A_41] : memref<32x1024xf32, #tpu.memory_space<vmem>>[vector<16xi32>, vector<16xi32>], vector<16xf32>,
      %mul3A_276 = arith.constant 16 : i32
      %mul3A_277 = arith.muli %scan3A_38, %mul3A_276 : i32
      %swap3A_278 = arith.constant 26 : i32
      %swap3A_279 = arith.index_cast %swap3A_278 : i32 to index
      %swap3A_280 = arith.index_cast %mul3A_277 : i32 to index
      %swap3A_281 = tpu.vector_load %arg7[%swap3A_279, %swap3A_280] {strides = array<i32>} : memref<32x1024xf32, #tpu.memory_space<vmem>>, vector<16xf32>,
      tpu.vector_store %arg7[%swap3A_279, %swap3A_280], %gather3A_275 {strides = array<i32>} : memref<32x1024xf32, #tpu.memory_space<vmem>>, vector<16xf32>,
      %broadcast_in_dim3A_282 = arith.constant 27 : i32
      %broadcast_in_dim3A_283 = vector.broadcast %broadcast_in_dim3A_282 : i32 to vector<16xi32>
      %gather3A_284 = tpu.vector_load_idx %arg6[%broadcast_in_dim3A_283, %get3A_41] : memref<32x1024xf32, #tpu.memory_space<vmem>>[vector<16xi32>, vector<16xi32>], vector<16xf32>,
      %mul3A_285 = arith.constant 16 : i32
      %mul3A_286 = arith.muli %scan3A_38, %mul3A_285 : i32
      %swap3A_287 = arith.constant 27 : i32
      %swap3A_288 = arith.index_cast %swap3A_287 : i32 to index
      %swap3A_289 = arith.index_cast %mul3A_286 : i32 to index
      %swap3A_290 = tpu.vector_load %arg7[%swap3A_288, %swap3A_289] {strides = array<i32>} : memref<32x1024xf32, #tpu.memory_space<vmem>>, vector<16xf32>,
      tpu.vector_store %arg7[%swap3A_288, %swap3A_289], %gather3A_284 {strides = array<i32>} : memref<32x1024xf32, #tpu.memory_space<vmem>>, vector<16xf32>,
      %broadcast_in_dim3A_291 = arith.constant 28 : i32
      %broadcast_in_dim3A_292 = vector.broadcast %broadcast_in_dim3A_291 : i32 to vector<16xi32>
      %gather3A_293 = tpu.vector_load_idx %arg6[%broadcast_in_dim3A_292, %get3A_41] : memref<32x1024xf32, #tpu.memory_space<vmem>>[vector<16xi32>, vector<16xi32>], vector<16xf32>,
      %mul3A_294 = arith.constant 16 : i32
      %mul3A_295 = arith.muli %scan3A_38, %mul3A_294 : i32
      %swap3A_296 = arith.constant 28 : i32
      %swap3A_297 = arith.index_cast %swap3A_296 : i32 to index
      %swap3A_298 = arith.index_cast %mul3A_295 : i32 to index
      %swap3A_299 = tpu.vector_load %arg7[%swap3A_297, %swap3A_298] {strides = array<i32>} : memref<32x1024xf32, #tpu.memory_space<vmem>>, vector<16xf32>,
      tpu.vector_store %arg7[%swap3A_297, %swap3A_298], %gather3A_293 {strides = array<i32>} : memref<32x1024xf32, #tpu.memory_space<vmem>>, vector<16xf32>,
      %broadcast_in_dim3A_300 = arith.constant 29 : i32
      %broadcast_in_dim3A_301 = vector.broadcast %broadcast_in_dim3A_300 : i32 to vector<16xi32>
      %gather3A_302 = tpu.vector_load_idx %arg6[%broadcast_in_dim3A_301, %get3A_41] : memref<32x1024xf32, #tpu.memory_space<vmem>>[vector<16xi32>, vector<16xi32>], vector<16xf32>,
      %mul3A_303 = arith.constant 16 : i32
      %mul3A_304 = arith.muli %scan3A_38, %mul3A_303 : i32
      %swap3A_305 = arith.constant 29 : i32
      %swap3A_306 = arith.index_cast %swap3A_305 : i32 to index
      %swap3A_307 = arith.index_cast %mul3A_304 : i32 to index
      %swap3A_308 = tpu.vector_load %arg7[%swap3A_306, %swap3A_307] {strides = array<i32>} : memref<32x1024xf32, #tpu.memory_space<vmem>>, vector<16xf32>,
      tpu.vector_store %arg7[%swap3A_306, %swap3A_307], %gather3A_302 {strides = array<i32>} : memref<32x1024xf32, #tpu.memory_space<vmem>>, vector<16xf32>,
      %broadcast_in_dim3A_309 = arith.constant 30 : i32
      %broadcast_in_dim3A_310 = vector.broadcast %broadcast_in_dim3A_309 : i32 to vector<16xi32>
      %gather3A_311 = tpu.vector_load_idx %arg6[%broadcast_in_dim3A_310, %get3A_41] : memref<32x1024xf32, #tpu.memory_space<vmem>>[vector<16xi32>, vector<16xi32>], vector<16xf32>,
      %mul3A_312 = arith.constant 16 : i32
      %mul3A_313 = arith.muli %scan3A_38, %mul3A_312 : i32
      %swap3A_314 = arith.constant 30 : i32
      %swap3A_315 = arith.index_cast %swap3A_314 : i32 to index
      %swap3A_316 = arith.index_cast %mul3A_313 : i32 to index
      %swap3A_317 = tpu.vector_load %arg7[%swap3A_315, %swap3A_316] {strides = array<i32>} : memref<32x1024xf32, #tpu.memory_space<vmem>>, vector<16xf32>,
      tpu.vector_store %arg7[%swap3A_315, %swap3A_316], %gather3A_311 {strides = array<i32>} : memref<32x1024xf32, #tpu.memory_space<vmem>>, vector<16xf32>,
      %broadcast_in_dim3A_318 = arith.constant 31 : i32
      %broadcast_in_dim3A_319 = vector.broadcast %broadcast_in_dim3A_318 : i32 to vector<16xi32>
      %gather3A_320 = tpu.vector_load_idx %arg6[%broadcast_in_dim3A_319, %get3A_41] : memref<32x1024xf32, #tpu.memory_space<vmem>>[vector<16xi32>, vector<16xi32>], vector<16xf32>,
      %mul3A_321 = arith.constant 16 : i32
      %mul3A_322 = arith.muli %scan3A_38, %mul3A_321 : i32
      %swap3A_323 = arith.constant 31 : i32
      %swap3A_324 = arith.index_cast %swap3A_323 : i32 to index
      %swap3A_325 = arith.index_cast %mul3A_322 : i32 to index
      %swap3A_326 = tpu.vector_load %arg7[%swap3A_324, %swap3A_325] {strides = array<i32>} : memref<32x1024xf32, #tpu.memory_space<vmem>>, vector<16xf32>,
      tpu.vector_store %arg7[%swap3A_324, %swap3A_325], %gather3A_320 {strides = array<i32>} : memref<32x1024xf32, #tpu.memory_space<vmem>>, vector<16xf32>,
    }
    %scan3A_37 = arith.constant 64 : i32
    "tpu.region"() ({
      %run_scoped3A = tpu.sem_alloc : memref<!tpu.dma_semaphore, #tpu.memory_space<semaphore_mem>>
      %dma_start3A = arith.constant 0 : i32
      %dma_start3A_38 = tpu.memref_slice %arg4[%select_n3A_9, %mul3A_32, %dma_start3A] : memref<16x64x1024xf32, #tpu.memory_space<hbm>> -> memref<1x32x1024xf32, #tpu.memory_space<hbm>>
      %dma_start3A_39 = tpu.memref_squeeze %dma_start3A_38 : memref<1x32x1024xf32, #tpu.memory_space<hbm>> -> memref<32x1024xf32, #tpu.memory_space<hbm>>
      %dma_start3A_40 = arith.constant 0 : i32
      %dma_start3A_41 = tpu.memref_slice %arg4[%select_n3A_9, %mul3A_32, %dma_start3A_40] : memref<16x64x1024xf32, #tpu.memory_space<hbm>> -> memref<1x32x1024xf32, #tpu.memory_space<hbm>>
      %dma_start3A_42 = tpu.memref_squeeze %dma_start3A_41 : memref<1x32x1024xf32, #tpu.memory_space<hbm>> -> memref<32x1024xf32, #tpu.memory_space<hbm>>
      tpu.enqueue_dma source(%arg7 : memref<32x1024xf32, #tpu.memory_space<vmem>>) target(%dma_start3A_42 : memref<32x1024xf32, #tpu.memory_space<hbm>>) target_semaphore(%run_scoped3A : memref<!tpu.dma_semaphore, #tpu.memory_space<semaphore_mem>>)
      %dma_wait3A = arith.constant 0 : i32
      %dma_wait3A_43 = tpu.memref_slice %arg4[%select_n3A_9, %mul3A_32, %dma_wait3A] : memref<16x64x1024xf32, #tpu.memory_space<hbm>> -> memref<1x32x1024xf32, #tpu.memory_space<hbm>>
      %dma_wait3A_44 = tpu.memref_squeeze %dma_wait3A_43 : memref<1x32x1024xf32, #tpu.memory_space<hbm>> -> memref<32x1024xf32, #tpu.memory_space<hbm>>
      %dma_wait3A_45 = arith.constant 0 : i32
      %dma_wait3A_46 = tpu.memref_slice %arg4[%select_n3A_9, %mul3A_32, %dma_wait3A_45] : memref<16x64x1024xf32, #tpu.memory_space<hbm>> -> memref<1x32x1024xf32, #tpu.memory_space<hbm>>
      %dma_wait3A_47 = tpu.memref_squeeze %dma_wait3A_46 : memref<1x32x1024xf32, #tpu.memory_space<hbm>> -> memref<32x1024xf32, #tpu.memory_space<hbm>>
      tpu.wait_dma2 semaphore(%run_scoped3A : memref<!tpu.dma_semaphore, #tpu.memory_space<semaphore_mem>>) src(%arg7 : memref<32x1024xf32, #tpu.memory_space<vmem>>) dst(%dma_wait3A_47 : memref<32x1024xf32, #tpu.memory_space<hbm>>)
      tpu.yield
    }) : () -> ()
    return
  }
}

module attributes {stable_mosaic.version = 14 : i64} {
  func.func @_argmin_body(%arg0: i32, %arg1: memref<1x64x1024xf32, #tpu.memory_space<vmem>>, %arg2: memref<1024x64xf32, #tpu.memory_space<vmem>>, %arg3: memref<1x1x1024xi32, #tpu.memory_space<vmem>>, %arg4: memref<1x1xf32, #tpu.memory_space<smem>>) attributes {dimension_semantics = [#tpu.dimension_semantics<arbitrary>], iteration_bounds = array<i64: 16>, scalar_prefetch = 0 : i64, scratch_operands = 0 : i64, tpu.core_type = #tpu.core_type<tc>, window_params = [{transform_indices = @transform_0, window_bounds = array<i64: 1, 64, 1024>}, {pipeline_mode = #tpu.pipeline_mode<synchronous>, transform_indices = @transform_1, window_bounds = array<i64: 1024, 64>}, {transform_indices = @transform_2, window_bounds = array<i64: 1, 1, 1024>}, {transform_indices = @transform_3, window_bounds = array<i64: 1, 1>}]} {
    %get3A = arith.constant 0 : index
    %get3A_0 = arith.constant 0 : index
    %get3A_1 = arith.constant 0 : index
    %get3A_2 = vector.load %arg1[%get3A, %get3A_0, %get3A_1] : memref<1x64x1024xf32, #tpu.memory_space<vmem>>, vector<1x64x1024xf32>
    %get3A_3 = vector.shape_cast %get3A_2 : vector<1x64x1024xf32> to vector<64x1024xf32>
    %get3A_4 = arith.constant 0 : index
    %get3A_5 = arith.constant 0 : index
    %get3A_6 = vector.load %arg2[%get3A_4, %get3A_5] : memref<1024x64xf32, #tpu.memory_space<vmem>>, vector<1024x64xf32>
    %transpose3A = tpu.transpose %get3A_3, [1, 0] : vector<64x1024xf32> -> vector<1024x64xf32>
    %mul3A = arith.mulf %transpose3A, %transpose3A : vector<1024x64xf32>
    %reduce_sum3A = arith.constant dense<0.000000e+00> : vector<1024xf32>
    %reduce_sum3A_7 = vector.multi_reduction <add>, %mul3A, %reduce_sum3A [1] : vector<1024x64xf32> to vector<1024xf32>
    %mul3A_8 = arith.mulf %get3A_6, %get3A_6 : vector<1024x64xf32>
    %reduce_sum3A_9 = arith.constant dense<0.000000e+00> : vector<1024xf32>
    %reduce_sum3A_10 = vector.multi_reduction <add>, %mul3A_8, %reduce_sum3A_9 [1] : vector<1024x64xf32> to vector<1024xf32>
    %dot_general3A = arith.constant dense<0.000000e+00> : vector<1024x1024xf32>
    %dot_general3A_11 = tpu.matmul %transpose3A, %get3A_6, %dot_general3A {dimension_numbers = #tpu.dot_dimension_numbers<[1], [1], [0], [0], [0, 0, 1, 0], [], []>, transpose_lhs_hint = false} : vector<1024x64xf32>, vector<1024x64xf32>, vector<1024x1024xf32> -> vector<1024x1024xf32>
    %broadcast_in_dim3A = vector.shape_cast %reduce_sum3A_7 : vector<1024xf32> to vector<1024x1xf32>
    %mul3A_12 = arith.constant 2.000000e+00 : f32
    %mul3A_13 = vector.broadcast %mul3A_12 : f32 to vector<1024x1024xf32>
    %mul3A_14 = arith.mulf %mul3A_13, %dot_general3A_11 : vector<1024x1024xf32>
    %sub3A = vector.broadcast %broadcast_in_dim3A : vector<1024x1xf32> to vector<1024x1024xf32>
    %sub3A_15 = arith.subf %sub3A, %mul3A_14 : vector<1024x1024xf32>
    %broadcast_in_dim3A_16 = vector.shape_cast %reduce_sum3A_10 : vector<1024xf32> to vector<1x1024xf32>
    %add3A = vector.broadcast %broadcast_in_dim3A_16 : vector<1x1024xf32> to vector<1024x1024xf32>
    %add3A_17 = arith.addf %sub3A_15, %add3A : vector<1024x1024xf32>
    %reduce_min3A = arith.constant dense<0x7F800000> : vector<1024xf32>
    %reduce_min3A_18 = vector.multi_reduction <minimumf>, %add3A_17, %reduce_min3A [1] : vector<1024x1024xf32> to vector<1024xf32>
    %broadcast_in_dim3A_19 = vector.shape_cast %reduce_min3A_18 : vector<1024xf32> to vector<1024x1xf32>
    %iota3A = tpu.iota {dimensions = array<i32: 1>} : vector<1024x1024xi32>
    %eq3A = vector.broadcast %broadcast_in_dim3A_19 : vector<1024x1xf32> to vector<1024x1024xf32>
    %eq3A_20 = arith.cmpf oeq, %add3A_17, %eq3A : vector<1024x1024xf32>
    %jit3A = arith.constant 1024 : i32
    %broadcast_in_dim3A_21 = vector.broadcast %jit3A : i32 to vector<1024x1024xi32>
    %select_n3A = arith.select %eq3A_20, %iota3A, %broadcast_in_dim3A_21 : vector<1024x1024xi1>, vector<1024x1024xi32>
    %reduce_min3A_22 = arith.constant dense<2147483647> : vector<1024xi32>
    %reduce_min3A_23 = vector.multi_reduction <minsi>, %select_n3A, %reduce_min3A_22 [1] : vector<1024x1024xi32> to vector<1024xi32>
    %swap3A = arith.constant 0 : index
    %swap3A_24 = arith.constant 0 : index
    %swap3A_25 = arith.constant 0 : index
    %swap3A_26 = vector.load %arg3[%swap3A, %swap3A_24, %swap3A_25] : memref<1x1x1024xi32, #tpu.memory_space<vmem>>, vector<1x1x1024xi32>
    %swap3A_27 = vector.shape_cast %swap3A_26 : vector<1x1x1024xi32> to vector<1024xi32>
    %swap3A_28 = vector.shape_cast %reduce_min3A_23 : vector<1024xi32> to vector<1x1x1024xi32>
    tpu.vector_store %arg3[%swap3A, %swap3A_24, %swap3A_25], %swap3A_28 {strides = array<i32>} : memref<1x1x1024xi32, #tpu.memory_space<vmem>>, vector<1x1x1024xi32>,
    %reduce_sum3A_29 = vector.shape_cast %broadcast_in_dim3A_19 : vector<1024x1xf32> to vector<1x1024x1xf32>
    %reduce_sum3A_30 = arith.constant dense<0.000000e+00> : vector<1xf32>
    %reduce_sum3A_31 = vector.multi_reduction <add>, %reduce_sum3A_29, %reduce_sum3A_30 [1, 2] : vector<1x1024x1xf32> to vector<1xf32>
    %reduce_sum3A_32 = vector.shape_cast %reduce_sum3A_31 : vector<1xf32> to vector<1x1x1xf32>
    %reduce_sum3A_33 = vector.extract %reduce_sum3A_32[0, 0, 0] : f32 from vector<1x1x1xf32>
    %eq3A_34 = arith.constant 0 : i32
    %eq3A_35 = arith.cmpi eq, %arg0, %eq3A_34 : i32
    %convert_element_type3A = arith.extui %eq3A_35 : i1 to i32
    %cond3A = arith.constant 0 : i32
    %cond3A_36 = arith.cmpi ne, %convert_element_type3A, %cond3A : i32
    scf.if %cond3A_36 {
      %swap3A_44 = arith.constant 0.000000e+00 : f32
      %swap3A_45 = arith.constant 0 : index
      %swap3A_46 = arith.constant 0 : index
      %swap3A_47 = memref.load %arg4[%swap3A_45, %swap3A_46] : memref<1x1xf32, #tpu.memory_space<smem>>
      memref.store %swap3A_44, %arg4[%swap3A_45, %swap3A_46] : memref<1x1xf32, #tpu.memory_space<smem>>
    } else {
    }
    %get3A_37 = arith.constant 0 : index
    %get3A_38 = arith.constant 0 : index
    %get3A_39 = memref.load %arg4[%get3A_37, %get3A_38] : memref<1x1xf32, #tpu.memory_space<smem>>
    %add3A_40 = arith.addf %get3A_39, %reduce_sum3A_33 : f32
    %swap3A_41 = arith.constant 0 : index
    %swap3A_42 = arith.constant 0 : index
    %swap3A_43 = memref.load %arg4[%swap3A_41, %swap3A_42] : memref<1x1xf32, #tpu.memory_space<smem>>
    memref.store %add3A_40, %arg4[%swap3A_41, %swap3A_42] : memref<1x1xf32, #tpu.memory_space<smem>>
    return
  }
  func.func @transform_0(%arg0: i32) -> (i32, i32, i32) {
    %c0_i32 = arith.constant 0 : i32
    %c0_i32_0 = arith.constant 0 : i32
    %c0_i32_1 = arith.constant 0 : i32
    return %arg0, %c0_i32, %c0_i32_0 : i32, i32, i32
  }
  func.func @transform_1(%arg0: i32) -> (i32, i32) {
    %c0_i32 = arith.constant 0 : i32
    %c0_i32_0 = arith.constant 0 : i32
    %c0_i32_1 = arith.constant 0 : i32
    return %c0_i32, %c0_i32_0 : i32, i32
  }
  func.func @transform_2(%arg0: i32) -> (i32, i32, i32) {
    %c0_i32 = arith.constant 0 : i32
    %c0_i32_0 = arith.constant 0 : i32
    %c0_i32_1 = arith.constant 0 : i32
    return %arg0, %c0_i32, %c0_i32_0 : i32, i32, i32
  }
  func.func @transform_3(%arg0: i32) -> (i32, i32) {
    %c0_i32 = arith.constant 0 : i32
    %c0_i32_0 = arith.constant 0 : i32
    %c0_i32_1 = arith.constant 0 : i32
    return %c0_i32, %c0_i32_0 : i32, i32
  }
}

</mosaic_0001>

<sc_bundles>
// kernel: kernel.4.cloned.1.call-start
scs
__scs_entry_jumppad:
0x0: {  	(pc) =	sbr.rel $0x88, $3  }
0x1: {  	(tag) =	ssettag $0x0;
	lr =	simm.s32 $0x1  }
0x2: {  	[smem:$0x3F9F] =	sst lr;
	_ =	strace $0xD0000000  }
0x3: {  	_ = 	snop  }
0x4: {  	_ = 	snop  }
0x5: {  	_ = 	snop  }
0x6: {  	_ = 	snop  }
0x7: {  	_ = 	snop  }
__scs_overlays_trampoline_lowered:
0x8: {  	[smem:$0x3FAE] =	sst s0  }
0x9: {  	[smem:$0x3FAF] =	sst s1  }
0xa: {  	[smem:$0x3FB0] =	sst s2  }
0xb: {  	[smem:$0x3FB1] =	sst s3  }
0xc: {  	[smem:$0x3FB2] =	sst s4  }
0xd: {  	[smem:$0x3FB3] =	sst s5  }
0xe: {  	[smem:$0x3FB4] =	sst s6  }
0xf: {  	[smem:$0x3FB5] =	sst s7  }
0x10: {  	[smem:$0x3FB6] =	sst s8  }
0x11: {  	[smem:$0x3FB7] =	sst s9;
	s0 =	simm.s32 @!p0 $0x0  }
0x12: {  	s1 =	sld [smem:$0x3F9D];
	s0 =	simm.s32 @p0 $0x1  }
0x13: {  	[smem:$0x3FB8] =	sst s0;
	s0 =	simm.s32 @!p1 $0x0  }
0x14: {  	s2 =	sld [smem:$0x3F9C];
	s0 =	simm.s32 @p1 $0x1  }
0x15: {  	[smem:$0x3FB9] =	sst s0;
	s0 =	simm.s32 @!p2 $0x0  }
0x16: {  	s3 =	sld [smem:$0x3FDB];
	s0 =	simm.s32 @p2 $0x1  }
0x17: {  	s4 =	simm.s32 $0x1BF5;
	[smem:$0x3FBB] =	sst s0  }
0x18: {  	s0 =	sld [smem:$0x3F9E];
	_ =	swait.ge [sflag:s4], $0x0  }
0x19: {  	s7 =	sld [smem:$0x3F9F]  }
0x1a: {  	s8 =	sadd.s32 $0xFFFFE003, lr  }
0x1b: {  	s9 =	sadd.s32 $0xFFFFFEF7, lr;
	s5 =	simm.s32 $0xFFFFFFFF;
	p2 =	slt.u32 s8, $0xFFFFF086  }
0x1c: {  	p1 =	slt.u32 s9, $0xF7A;
	s5 =	simm.s32 @!p2 $0x0  }
0x1d: {  	s5 =	simm.s32 @p1 $0x1;
	p0 =	seq.s32 s7, s2  }
0x1e: {  	s7 =	smul.u32 @!p0 $0xF7A, s2;
	p2 =	seq.s32 @!p0 s5, $0x0  }
0x1f: {  	s9 =	smul.u32 $0xF7A, s1;
	s8 =	simm.s32 @!p0 $0x1BF5;
	p2 =	por !p2, p0  }
0x20: {  	[sflag:s8] =	ssyncset.s32 @!p0 $0xFFFFF086;
	s6 =	sadd.s32 @!p0 s3, s7;
	s7 =	simm.s32 @!p0 $0x108  }
0x21: {  	s3 =	sadd.s32 s3, s9;
	s6 =	sadd.s32 @!p0 $0x88, s6;
	s7 =	simm.s32 @p2 $0x1082  }
0x22: {  	[simem:s7], [sflag:s8] =	dma.local @!p0 [hbm:s6], $0xF7A  }
0x23: {  	s9 =	sor.u32 $0xD0000000, s2;
	s6 =	simm.s32 $0x108;
	_ =	swait.ge @!p0 [sflag:s8], $0x0  }
0x24: {  	s3 =	sadd.s32 $0x88, s3;
	s6 =	simm.s32 @!p1 $0x1082;
	[sflag:s4] =	ssyncset.s32 $0xFFFFF086  }
0x25: {  	[simem:s6], [sflag:s4] =	dma.local [hbm:s3], $0xF7A  }
0x26: {  	[smem:$0x3F9F] =	sst s1;
	(tag) =	ssettag s2;
	_ =	strace s9  }
0x27: {  	s1 =	sld [smem:$0x3FAF]  }
0x28: {  	s2 =	sld [smem:$0x3FB0]  }
0x29: {  	s4 =	sld [smem:$0x3FB2]  }
0x2a: {  	p0 =	seq.s32 s5, $0x0;
	s5 =	sld [smem:$0x3FB3]  }
0x2b: {  	s6 =	sld [smem:$0x3FB4]  }
0x2c: {  	s7 =	sld [smem:$0x3FB5]  }
0x2d: {  	s3 =	simm.s32 $0x108;
	s8 =	sld [smem:$0x3FB6]  }
0x2e: {  	s3 =	simm.s32 @!p0 $0x1082;
	s9 =	sld [smem:$0x3FB7]  }
0x2f: {  	lr =	sadd.s32 s0, s3;
	s0 =	sld [smem:$0x3FAE]  }
0x30: {  	s3 =	sld [smem:$0x3FB1]  }
0x31: {  	[smem:$0x3FBA] =	sst s10  }
0x32: {  	s10 =	sld [smem:$0x3FB8];
	_ =	sdelay $0x3  }
0x33: {  	p0 =	seq.s32 s10, $0x1;
	s10 =	sld [smem:$0x3FBA];
	_ =	sdelay $0x3  }
0x34: {  	[smem:$0x3FBA] =	sst s10  }
0x35: {  	s10 =	sld [smem:$0x3FB9];
	_ =	sdelay $0x3  }
0x36: {  	p1 =	seq.s32 s10, $0x1;
	s10 =	sld [smem:$0x3FBA];
	_ =	sdelay $0x3  }
0x37: {  	[smem:$0x3FBA] =	sst s10  }
0x38: {  	s10 =	sld [smem:$0x3FBB]  }
0x39: {  	_ = 	snop;
	(pc) =	sbr.ind lr, $3  }
0x3a: {  	_ = 	snop  }
0x3b: {  	_ = 	snop  }
0x3c: {  	p2 =	seq.s32 s10, $0x1;
	s10 =	sld [smem:$0x3FBA]  }
0x3d: {  	_ =	shalt  }
0x3e: {  	_ =	shalt  }
0x3f: {  	_ =	shalt  }
0x40: {  	_ =	shalt  }
0x41: {  	_ =	shalt  }
0x42: {  	_ =	shalt  }
0x43: {  	_ =	shalt  }
0x44: {  	_ =	shalt  }
0x45: {  	_ =	shalt  }
0x46: {  	_ =	shalt  }
0x47: {  	_ =	shalt  }
0x48: {  	_ =	shalt  }
0x49: {  	_ =	shalt  }
0x4a: {  	_ =	shalt  }
0x4b: {  	_ =	shalt  }
0x4c: {  	_ =	shalt  }
0x4d: {  	_ =	shalt  }
0x4e: {  	_ =	shalt  }
0x4f: {  	_ =	shalt  }
0x50: {  	_ =	shalt  }
0x51: {  	_ =	shalt  }
0x52: {  	_ =	shalt  }
0x53: {  	_ =	shalt  }
0x54: {  	_ =	shalt  }
0x55: {  	_ =	shalt  }
0x56: {  	_ =	shalt  }
0x57: {  	_ =	shalt  }
0x58: {  	_ =	shalt  }
0x59: {  	_ =	shalt  }
0x5a: {  	_ =	shalt  }
0x5b: {  	_ =	shalt  }
0x5c: {  	_ =	shalt  }
0x5d: {  	_ =	shalt  }
0x5e: {  	_ =	shalt  }
0x5f: {  	_ =	shalt  }
0x60: {  	_ =	shalt  }
0x61: {  	_ =	shalt  }
0x62: {  	_ =	shalt  }
0x63: {  	_ =	shalt  }
0x64: {  	_ =	shalt  }
0x65: {  	_ =	shalt  }
0x66: {  	_ =	shalt  }
0x67: {  	_ =	shalt  }
0x68: {  	_ =	shalt  }
0x69: {  	_ =	shalt  }
0x6a: {  	_ =	shalt  }
0x6b: {  	_ =	shalt  }
0x6c: {  	_ =	shalt  }
0x6d: {  	_ =	shalt  }
0x6e: {  	_ =	shalt  }
0x6f: {  	_ =	shalt  }
0x70: {  	_ =	shalt  }
0x71: {  	_ =	shalt  }
0x72: {  	_ =	shalt  }
0x73: {  	_ =	shalt  }
0x74: {  	_ =	shalt  }
0x75: {  	_ =	shalt  }
0x76: {  	_ =	shalt  }
0x77: {  	_ =	shalt  }
0x78: {  	_ =	shalt  }
0x79: {  	_ =	shalt  }
0x7a: {  	_ =	shalt  }
0x7b: {  	_ =	shalt  }
0x7c: {  	_ =	shalt  }
0x7d: {  	_ =	shalt  }
0x7e: {  	_ =	shalt  }
0x7f: {  	_ =	shalt  }
0x80: {  	_ =	shalt  }
0x81: {  	_ =	shalt  }
0x82: {  	_ =	shalt  }
0x83: {  	_ =	shalt  }
0x84: {  	_ =	shalt  }
0x85: {  	_ =	shalt  }
0x86: {  	_ =	shalt  }
0x87: {  	_ =	shalt  }
.Lfunc_end0:
.L_simem_size_0:
called_computation_lowered:
.L_overlay_start_0:
0x88: {  	s2 =	sld [smem:$0x3FD9]  }
0x89: {  	s3 =	sld [smem:$0x3FFE];
	_ =	sdelay $0x1  }
0x8a: {  	s1 =	srdreg.scid  }
0x8b: {  	s0 =	sand.u32 $0x1, s1  }
0x8c: {  	s14 =	sshll.u32 s0, $0xA;
	s2 =	sadd.s32 s3, s2  }
0x8d: {  	s2 =	sadd.s32 s2, s14  }
0x8e: {  	[smem:$0x3FC6] =	sst s2  }
0x8f: {  	_ = 	snop  }
0x90: {  	s2 =	sld [smem:$0x3FD0];
	_ =	sdelay $0x2  }
0x91: {  	s15 =	simm.s32 $0xA;
	s4 =	simm.s32 $0x10  }
0x92: {  	[smem:s4], [sflag:s15] =	dma.local [hbm:s2], $0x1  }
0x93: {  	_ =	swait.eq [sflag:s15], $0x1  }
0x94: {  	[sflag:s15] =	ssyncset.done $0x0  }
0x95: {  	[sflag:s15] =	ssyncadd.s32 $0xFFFFFFFF  }
0x96: {  	s16 =	sld [smem:$0x10];
	(tm) =	ssettm $0x1  }
0x97: {  	s17 =	sld [smem:$0x3FFB];
	_ =	sdelay $0x3  }
0x98: {  	_ =	strace s17  }
0x99: {  	s3 =	sld [smem:$0x3FFC];
	_ =	sdelay $0x3  }
0x9a: {  	_ =	strace s3  }
0x9b: {  	s3 =	sld [smem:$0x3FFD];
	_ =	sdelay $0x3  }
0x9c: {  	_ =	strace s3  }
0x9d: {  	_ =	strace $0x8FFFFFFF  }
0x9e: {  	s18 =	sld [smem:$0x3FDB];
	_ =	sdelay $0x1  }
0x9f: {  	s19 =	simm.s32 $_scs_section_size  }
0xa0: {  	s5 =	simm.s32 $_size__tile_overlayer_lowered;
	s6 =	simm.s32 $_tile_overlayer_lowered  }
0xa1: {  	s22 =	simm.s32 $0x1BFF;
	s21 =	sshll.u32 s6, $0x1;
	s3 =	sadd.s32 s19, s18  }
0xa2: {  	s7 =	simm.s32 $0x0;
	s20 =	sshll.u32 s5, $0x1;
	s5 =	sadd.s32 s21, s3  }
0xa3: {  	[timem:s7], [sflag:s22] =	dma.local [hbm:s5], s20  }
0xa4: {  	_ =	swait.ge [sflag:s22], s20  }
0xa5: {  	s4 =	ssub.s32 $0x0, s20;
	[sflag:s22] =	ssyncset.done $0x0  }
0xa6: {  	[sflag:s22] =	ssyncadd.s32 s4;
	_ =	sdelay $0x1  }
0xa7: {  	s23 =	simm.s32 $0x1B8B  }
0xa8: {  	_ =	swait.ge [sflag:s23], $0x1  }
0xa9: {  	[sflag:s23] =	ssyncset.done $0x0  }
0xaa: {  	s25 =	simm.s32 $0x1B8E;
	s24 =	sld [smem:$0x3FFE];
	[sflag:s23] =	ssyncadd.s32 $0xFFFFFFFF  }
0xab: {  	s26 =	simm.s32 $execute0_lowered;
	[smem:$0x3FD2] =	sst s25  }
0xac: {  	s5 =	sshll.u32 s26, $0x1;
	_ =	strace $0x80000046;
	[dreg:$0x1] =	wrdreg $0xFFFFFFFF  }
0xad: {  	s28 =	simm.s32 $_size_execute0_lowered;
	s3 =	sadd.s32 s3, s5;
	[dreg:$0x0] =	wrdreg $0x0  }
0xae: {  	s5 =	sshll.u32 s28, $0x1;
	[dreg:$0x2] =	wrdreg s3  }
0xaf: {  	[dreg:$0x3] =	wrdreg s5  }
0xb0: {  	[dreg:$0x4] =	wrdreg $0xC0  }
0xb1: {  	_ =	task [dreg:s7], $0x5FFFF  }
0xb2: {  	[dreg:$0x1] =	wrdreg $0xFFFFFFFF  }
0xb3: {  	[dreg:$0x0] =	wrdreg $0x60  }
0xb4: {  	[dreg:$0x2] =	wrdreg s24  }
0xb5: {  	[dreg:$0x3] =	wrdreg s16  }
0xb6: {  	[dreg:$0x4] =	wrdreg $0x9  }
0xb7: {  	_ =	task.clear_ibuf [dreg:s7], $0x5FFFF;
	_ =	strace $0x90000046  }
0xb8: {  	s29 =	simm.s32 $0x9;
	_ =	strace $0x80000048  }
0xb9: {  	_ =	swait.ge [sflag:s29], $0x1  }
0xba: {  	[sflag:s29] =	ssyncadd.s32 $0xFFFFFFFF  }
0xbb: {  	_ =	strace $0x90000048  }
0xbc: {  	_ =	sfence  }
0xbd: {  	s30 =	sld [smem:$0x0];
	_ =	sdelay $0x2  }
0xbe: {  	s31 =	sshll.u32 s1, $0xD;
	s1 =	sshrl.u32 s1, $0x2  }
0xbf: {  	s3 =	sand.u32 $0x4000, s31;
	s1 =	sadd.s32 s1, s30  }
0xc0: {  	s0 =	sor.u32 s3, s0;
	s1 =	sshll.u32 s1, $0x11  }
0xc1: {  	s0 =	sor.u32 s1, s0  }
0xc2: {  	s0 =	sadd.s32 $0x8F2B, s0  }
0xc3: {  	[sflag:s0] =	ssyncadd.remote.s32 $0x1  }
0xc4: {  	_ =	sfence.sel $0xFFFF  }
0xc5: {  	[dreg:$0x0] =	wrdreg $0xFFFFFFFF;
	(pc) =	sbr.abs _section_cstart, $3  }
0xc6: {  	[dreg:$0x1] =	wrdreg $0xFFFFFFFF  }
0xc7: {  	_ =	task.clear_ibuf [dreg:s7], $0x2FFFF;
	_ =	strace $0x9FFFFFFF  }
0xc8: {  	(tm) =	ssettm $0x7FFFFFFF  }
0xc9: {  	_ =	shalt  }
tec
execute0_lowered:
.L_overlay_start_1:
0x0: {  	(tag) =	ssettag $0x1  }
0x1: {  	s3 =	rddreg [dreg:$0x0]  }
0x2: {  	s5 =	rddreg [dreg:$0x1]  }
0x3: {  	s0 =	rddreg [dreg:$0x2];
	s2 =	simm.s32 $0x0;
	s1 =	stileid.u32  }
0x4: {  	s6 =	srdreg.scid;
	[smem:$0x7FF] =	sst s2;
	s4 =	sshll.u32 s1, $0xC  }
0x5: {  	s7 =	sshll.u32 s1, $0x1;
	s6 =	sand.u32 $0x1, s6;
	s4 =	sand.u32 $0x8000, s4  }
0x6: {  	_ =	strace $0x80000047;
	s7 =	sand.u32 $0xE, s7;
	s8 =	sshrl.u32 s4, $0x3  }
0x7: {  	s7 =	sor.u32 s6, s7;
	s6 =	ssub.s32 $0x2, s6;
	s8 =	sadd.s32 s8, s3  }
0x8: {  	s9 =	sshll.u32 s7, $0x7;
	s10 =	sshrl.u32 s6, $0x1;
	s7 =	sshll.u32 s7, $0x10  }
0x9: {  	s3 =	sadd.s32 s9, s3;
	s6 =	ssub.s32 s6, s10;
	s7 =	sor.u32 s4, s7  }
0xa: {  	s4 =	sadd.s32 $0x800, s8;
	s8 =	simm.s32 $0x400;
	s9 =	simm.s32 $0x8400  }
0xb: {  	s10 =	simm.s32 $0x0;
	s3 =	sadd.s32 $0x2800, s3;
	s7 =	sshrl.u32 s7, $0x3  }
0xc: {  	s6 =	smax.u32 s6, $0x1;
	s5 =	sadd.s32 s5, s7;
	s7 =	simm.s32 $0x1  }
.LBB2_1:
0xd: {  	[tilespmem:s2], [sflag:$0x1] =	stream.linear.gather [hbm4b:s3+s2], $0x400, $0x38;
	[tilespmem:$0x10400] =	vst v63  }
0xe: {  	_ =	swait.ge [sflag:s7], $0x400  }
0xf: {  	[sflag:s7] =	ssyncset.done $0x0  }
0x10: {  	[sflag:s7] =	ssyncadd.s32 $0xFFFFFC00  }
0x11: {  	[tilespmem:s8], [sflag:$0x1] =	stream.linear.gather [hbm4b:s4+s2], $0x8000, $0x38;
	[tilespmem:$0x10400] =	vst v63  }
0x12: {  	_ =	swait.ge [sflag:s7], $0x8000  }
0x13: {  	[sflag:s7] =	ssyncset.done $0x0  }
0x14: {  	s11 =	simm.s32 $0x0;
	[sflag:s7] =	ssyncadd.s32 $0xFFFF8000  }
0x15: {  	v0 =	vld [tilespmem:s11+$0x0];
	_ =	sdelay $0x7  }
0x16: {  	v1 =	vld.idx.msk [tilespmem:v0+s8+$0x0], $0xffff  }
0x17: {  	v2 =	vadd.s32 $0x400, v0;
	_ =	sdelay $0x3  }
0x18: {  	[tilespmem:s11+$0x8400] =	vst v1  }
0x19: {  	v1 =	vld.idx.msk [tilespmem:v2+s8+$0x0], $0xffff  }
0x1a: {  	v2 =	vadd.s32 $0x800, v0;
	_ =	sdelay $0x3  }
0x1b: {  	[tilespmem:s11+$0x8800] =	vst v1  }
0x1c: {  	v1 =	vld.idx.msk [tilespmem:v2+s8+$0x0], $0xffff  }
0x1d: {  	v2 =	vadd.s32 $0xC00, v0;
	_ =	sdelay $0x3  }
0x1e: {  	[tilespmem:s11+$0x8C00] =	vst v1  }
0x1f: {  	v1 =	vld.idx.msk [tilespmem:v2+s8+$0x0], $0xffff  }
0x20: {  	v2 =	vadd.s32 $0x1000, v0;
	_ =	sdelay $0x3  }
0x21: {  	[tilespmem:s11+$0x9000] =	vst v1  }
0x22: {  	v1 =	vld.idx.msk [tilespmem:v2+s8+$0x0], $0xffff  }
0x23: {  	v2 =	vadd.s32 $0x1400, v0;
	_ =	sdelay $0x3  }
0x24: {  	[tilespmem:s11+$0x9400] =	vst v1  }
0x25: {  	v1 =	vld.idx.msk [tilespmem:v2+s8+$0x0], $0xffff  }
0x26: {  	v2 =	vadd.s32 $0x1800, v0;
	_ =	sdelay $0x3  }
0x27: {  	[tilespmem:s11+$0x9800] =	vst v1  }
0x28: {  	v1 =	vld.idx.msk [tilespmem:v2+s8+$0x0], $0xffff  }
0x29: {  	v2 =	vadd.s32 $0x1C00, v0;
	_ =	sdelay $0x3  }
0x2a: {  	[tilespmem:s11+$0x9C00] =	vst v1  }
0x2b: {  	v1 =	vld.idx.msk [tilespmem:v2+s8+$0x0], $0xffff  }
0x2c: {  	v2 =	vadd.s32 $0x2000, v0;
	_ =	sdelay $0x3  }
0x2d: {  	[tilespmem:s11+$0xA000] =	vst v1  }
0x2e: {  	v1 =	vld.idx.msk [tilespmem:v2+s8+$0x0], $0xffff  }
0x2f: {  	v2 =	vadd.s32 $0x2400, v0;
	_ =	sdelay $0x3  }
0x30: {  	[tilespmem:s11+$0xA400] =	vst v1  }
0x31: {  	v1 =	vld.idx.msk [tilespmem:v2+s8+$0x0], $0xffff  }
0x32: {  	v2 =	vadd.s32 $0x2800, v0;
	_ =	sdelay $0x3  }
0x33: {  	[tilespmem:s11+$0xA800] =	vst v1  }
0x34: {  	v1 =	vld.idx.msk [tilespmem:v2+s8+$0x0], $0xffff  }
0x35: {  	v2 =	vadd.s32 $0x2C00, v0;
	_ =	sdelay $0x3  }
0x36: {  	[tilespmem:s11+$0xAC00] =	vst v1  }
0x37: {  	v1 =	vld.idx.msk [tilespmem:v2+s8+$0x0], $0xffff  }
0x38: {  	v2 =	vadd.s32 $0x3000, v0;
	_ =	sdelay $0x3  }
0x39: {  	[tilespmem:s11+$0xB000] =	vst v1  }
0x3a: {  	v1 =	vld.idx.msk [tilespmem:v2+s8+$0x0], $0xffff  }
0x3b: {  	v2 =	vadd.s32 $0x3400, v0;
	_ =	sdelay $0x3  }
0x3c: {  	[tilespmem:s11+$0xB400] =	vst v1  }
0x3d: {  	v1 =	vld.idx.msk [tilespmem:v2+s8+$0x0], $0xffff  }
0x3e: {  	v2 =	vadd.s32 $0x3800, v0;
	_ =	sdelay $0x3  }
0x3f: {  	[tilespmem:s11+$0xB800] =	vst v1  }
0x40: {  	v1 =	vld.idx.msk [tilespmem:v2+s8+$0x0], $0xffff  }
0x41: {  	v2 =	vadd.s32 $0x3C00, v0;
	_ =	sdelay $0x3  }
0x42: {  	[tilespmem:s11+$0xBC00] =	vst v1  }
0x43: {  	v1 =	vld.idx.msk [tilespmem:v2+s8+$0x0], $0xffff  }
0x44: {  	v2 =	vadd.s32 $0x4000, v0;
	_ =	sdelay $0x3  }
0x45: {  	[tilespmem:s11+$0xC000] =	vst v1  }
0x46: {  	v1 =	vld.idx.msk [tilespmem:v2+s8+$0x0], $0xffff  }
0x47: {  	v2 =	vadd.s32 $0x4400, v0;
	_ =	sdelay $0x3  }
0x48: {  	[tilespmem:s11+$0xC400] =	vst v1  }
0x49: {  	v1 =	vld.idx.msk [tilespmem:v2+s8+$0x0], $0xffff  }
0x4a: {  	v2 =	vadd.s32 $0x4800, v0;
	_ =	sdelay $0x3  }
0x4b: {  	[tilespmem:s11+$0xC800] =	vst v1  }
0x4c: {  	v1 =	vld.idx.msk [tilespmem:v2+s8+$0x0], $0xffff  }
0x4d: {  	v2 =	vadd.s32 $0x4C00, v0;
	_ =	sdelay $0x3  }
0x4e: {  	[tilespmem:s11+$0xCC00] =	vst v1  }
0x4f: {  	v1 =	vld.idx.msk [tilespmem:v2+s8+$0x0], $0xffff  }
0x50: {  	v2 =	vadd.s32 $0x5000, v0;
	_ =	sdelay $0x3  }
0x51: {  	[tilespmem:s11+$0xD000] =	vst v1  }
0x52: {  	v1 =	vld.idx.msk [tilespmem:v2+s8+$0x0], $0xffff  }
0x53: {  	v2 =	vadd.s32 $0x5400, v0;
	_ =	sdelay $0x3  }
0x54: {  	[tilespmem:s11+$0xD400] =	vst v1  }
0x55: {  	v1 =	vld.idx.msk [tilespmem:v2+s8+$0x0], $0xffff  }
0x56: {  	v2 =	vadd.s32 $0x5800, v0;
	_ =	sdelay $0x3  }
0x57: {  	[tilespmem:s11+$0xD800] =	vst v1  }
0x58: {  	v1 =	vld.idx.msk [tilespmem:v2+s8+$0x0], $0xffff  }
0x59: {  	v2 =	vadd.s32 $0x5C00, v0;
	_ =	sdelay $0x3  }
0x5a: {  	[tilespmem:s11+$0xDC00] =	vst v1  }
0x5b: {  	v1 =	vld.idx.msk [tilespmem:v2+s8+$0x0], $0xffff  }
0x5c: {  	v2 =	vadd.s32 $0x6000, v0;
	_ =	sdelay $0x3  }
0x5d: {  	[tilespmem:s11+$0xE000] =	vst v1  }
0x5e: {  	v1 =	vld.idx.msk [tilespmem:v2+s8+$0x0], $0xffff  }
0x5f: {  	v2 =	vadd.s32 $0x6400, v0;
	_ =	sdelay $0x3  }
0x60: {  	[tilespmem:s11+$0xE400] =	vst v1  }
0x61: {  	v1 =	vld.idx.msk [tilespmem:v2+s8+$0x0], $0xffff  }
0x62: {  	v2 =	vadd.s32 $0x6800, v0;
	_ =	sdelay $0x3  }
0x63: {  	[tilespmem:s11+$0xE800] =	vst v1  }
0x64: {  	v1 =	vld.idx.msk [tilespmem:v2+s8+$0x0], $0xffff  }
0x65: {  	v2 =	vadd.s32 $0x6C00, v0;
	_ =	sdelay $0x3  }
0x66: {  	[tilespmem:s11+$0xEC00] =	vst v1  }
0x67: {  	v1 =	vld.idx.msk [tilespmem:v2+s8+$0x0], $0xffff  }
0x68: {  	v2 =	vadd.s32 $0x7000, v0;
	_ =	sdelay $0x3  }
0x69: {  	[tilespmem:s11+$0xF000] =	vst v1  }
0x6a: {  	v1 =	vld.idx.msk [tilespmem:v2+s8+$0x0], $0xffff  }
0x6b: {  	v2 =	vadd.s32 $0x7400, v0;
	_ =	sdelay $0x3  }
0x6c: {  	[tilespmem:s11+$0xF400] =	vst v1  }
0x6d: {  	v1 =	vld.idx.msk [tilespmem:v2+s8+$0x0], $0xffff  }
0x6e: {  	v2 =	vadd.s32 $0x7800, v0;
	_ =	sdelay $0x3  }
0x6f: {  	[tilespmem:s11+$0xF800] =	vst v1  }
0x70: {  	v1 =	vld.idx.msk [tilespmem:v2+s8+$0x0], $0xffff  }
0x71: {  	v2 =	vadd.s32 $0x7C00, v0;
	_ =	sdelay $0x2  }
0x72: {  	s13 =	simm.s32 $0x10;
	s12 =	simm.s32 $0x80  }
.LBB2_2:
0x73: {  	p0 =	sne.s32 s12, $0xFC0;
	v0 =	vld [tilespmem:s13+$0x0];
	[tilespmem:s11+$0xFC00] =	vst v1  }
0x74: {  	v1 =	vld.idx.msk [tilespmem:v2+s8+$0x0], $0xffff;
	_ =	sdelay $0x5  }
0x75: {  	[tilespmem:s11+$0x10000] =	vst v1;
	s11 =	smov.u32 s13  }
0x76: {  	v1 =	vld.idx.msk [tilespmem:v0+s8+$0x0], $0xffff;
	_ =	sdelay $0x1  }
0x77: {  	v2 =	vadd.s32 $0x400, v0;
	_ =	sdelay $0x3  }
0x78: {  	[tilespmem:s11+$0x8400] =	vst v1  }
0x79: {  	v1 =	vld.idx.msk [tilespmem:v2+s8+$0x0], $0xffff;
	_ =	sdelay $0x1  }
0x7a: {  	v2 =	vadd.s32 $0x800, v0;
	_ =	sdelay $0x3  }
0x7b: {  	[tilespmem:s11+$0x8800] =	vst v1  }
0x7c: {  	v1 =	vld.idx.msk [tilespmem:v2+s8+$0x0], $0xffff;
	_ =	sdelay $0x1  }
0x7d: {  	v2 =	vadd.s32 $0xC00, v0;
	_ =	sdelay $0x3  }
0x7e: {  	[tilespmem:s11+$0x8C00] =	vst v1  }
0x7f: {  	v1 =	vld.idx.msk [tilespmem:v2+s8+$0x0], $0xffff;
	_ =	sdelay $0x1  }
0x80: {  	v2 =	vadd.s32 $0x1000, v0;
	_ =	sdelay $0x3  }
0x81: {  	[tilespmem:s11+$0x9000] =	vst v1  }
0x82: {  	v1 =	vld.idx.msk [tilespmem:v2+s8+$0x0], $0xffff;
	_ =	sdelay $0x1  }
0x83: {  	v2 =	vadd.s32 $0x1400, v0;
	_ =	sdelay $0x3  }
0x84: {  	[tilespmem:s11+$0x9400] =	vst v1  }
0x85: {  	v1 =	vld.idx.msk [tilespmem:v2+s8+$0x0], $0xffff;
	_ =	sdelay $0x1  }
0x86: {  	v2 =	vadd.s32 $0x1800, v0;
	_ =	sdelay $0x3  }
0x87: {  	[tilespmem:s11+$0x9800] =	vst v1  }
0x88: {  	v1 =	vld.idx.msk [tilespmem:v2+s8+$0x0], $0xffff;
	_ =	sdelay $0x1  }
0x89: {  	v2 =	vadd.s32 $0x1C00, v0;
	_ =	sdelay $0x3  }
0x8a: {  	[tilespmem:s11+$0x9C00] =	vst v1  }
0x8b: {  	v1 =	vld.idx.msk [tilespmem:v2+s8+$0x0], $0xffff;
	_ =	sdelay $0x1  }
0x8c: {  	v2 =	vadd.s32 $0x2000, v0;
	_ =	sdelay $0x3  }
0x8d: {  	[tilespmem:s11+$0xA000] =	vst v1  }
0x8e: {  	v1 =	vld.idx.msk [tilespmem:v2+s8+$0x0], $0xffff;
	_ =	sdelay $0x1  }
0x8f: {  	v2 =	vadd.s32 $0x2400, v0;
	_ =	sdelay $0x3  }
0x90: {  	[tilespmem:s11+$0xA400] =	vst v1  }
0x91: {  	v1 =	vld.idx.msk [tilespmem:v2+s8+$0x0], $0xffff;
	_ =	sdelay $0x1  }
0x92: {  	v2 =	vadd.s32 $0x2800, v0;
	_ =	sdelay $0x3  }
0x93: {  	[tilespmem:s11+$0xA800] =	vst v1  }
0x94: {  	v1 =	vld.idx.msk [tilespmem:v2+s8+$0x0], $0xffff;
	_ =	sdelay $0x1  }
0x95: {  	v2 =	vadd.s32 $0x2C00, v0;
	_ =	sdelay $0x3  }
0x96: {  	[tilespmem:s11+$0xAC00] =	vst v1  }
0x97: {  	v1 =	vld.idx.msk [tilespmem:v2+s8+$0x0], $0xffff;
	_ =	sdelay $0x1  }
0x98: {  	v2 =	vadd.s32 $0x3000, v0;
	_ =	sdelay $0x3  }
0x99: {  	[tilespmem:s11+$0xB000] =	vst v1  }
0x9a: {  	v1 =	vld.idx.msk [tilespmem:v2+s8+$0x0], $0xffff;
	_ =	sdelay $0x1  }
0x9b: {  	v2 =	vadd.s32 $0x3400, v0;
	_ =	sdelay $0x3  }
0x9c: {  	[tilespmem:s11+$0xB400] =	vst v1  }
0x9d: {  	v1 =	vld.idx.msk [tilespmem:v2+s8+$0x0], $0xffff;
	_ =	sdelay $0x1  }
0x9e: {  	v2 =	vadd.s32 $0x3800, v0;
	_ =	sdelay $0x3  }
0x9f: {  	[tilespmem:s11+$0xB800] =	vst v1  }
0xa0: {  	v1 =	vld.idx.msk [tilespmem:v2+s8+$0x0], $0xffff;
	_ =	sdelay $0x1  }
0xa1: {  	v2 =	vadd.s32 $0x3C00, v0;
	_ =	sdelay $0x3  }
0xa2: {  	[tilespmem:s11+$0xBC00] =	vst v1  }
0xa3: {  	v1 =	vld.idx.msk [tilespmem:v2+s8+$0x0], $0xffff;
	_ =	sdelay $0x1  }
0xa4: {  	v2 =	vadd.s32 $0x4000, v0;
	_ =	sdelay $0x3  }
0xa5: {  	[tilespmem:s11+$0xC000] =	vst v1  }
0xa6: {  	v1 =	vld.idx.msk [tilespmem:v2+s8+$0x0], $0xffff;
	_ =	sdelay $0x1  }
0xa7: {  	v2 =	vadd.s32 $0x4400, v0;
	_ =	sdelay $0x3  }
0xa8: {  	[tilespmem:s11+$0xC400] =	vst v1  }
0xa9: {  	v1 =	vld.idx.msk [tilespmem:v2+s8+$0x0], $0xffff;
	_ =	sdelay $0x1  }
0xaa: {  	v2 =	vadd.s32 $0x4800, v0;
	_ =	sdelay $0x3  }
0xab: {  	[tilespmem:s11+$0xC800] =	vst v1  }
0xac: {  	v1 =	vld.idx.msk [tilespmem:v2+s8+$0x0], $0xffff;
	_ =	sdelay $0x1  }
0xad: {  	v2 =	vadd.s32 $0x4C00, v0;
	_ =	sdelay $0x3  }
0xae: {  	[tilespmem:s11+$0xCC00] =	vst v1  }
0xaf: {  	v1 =	vld.idx.msk [tilespmem:v2+s8+$0x0], $0xffff;
	_ =	sdelay $0x1  }
0xb0: {  	v2 =	vadd.s32 $0x5000, v0;
	_ =	sdelay $0x3  }
0xb1: {  	[tilespmem:s11+$0xD000] =	vst v1  }
0xb2: {  	v1 =	vld.idx.msk [tilespmem:v2+s8+$0x0], $0xffff;
	_ =	sdelay $0x1  }
0xb3: {  	v2 =	vadd.s32 $0x5400, v0;
	_ =	sdelay $0x3  }
0xb4: {  	[tilespmem:s11+$0xD400] =	vst v1  }
0xb5: {  	v1 =	vld.idx.msk [tilespmem:v2+s8+$0x0], $0xffff;
	_ =	sdelay $0x1  }
0xb6: {  	v2 =	vadd.s32 $0x5800, v0;
	_ =	sdelay $0x3  }
0xb7: {  	[tilespmem:s11+$0xD800] =	vst v1  }
0xb8: {  	v1 =	vld.idx.msk [tilespmem:v2+s8+$0x0], $0xffff;
	_ =	sdelay $0x1  }
0xb9: {  	v2 =	vadd.s32 $0x5C00, v0;
	_ =	sdelay $0x3  }
0xba: {  	[tilespmem:s11+$0xDC00] =	vst v1  }
0xbb: {  	v1 =	vld.idx.msk [tilespmem:v2+s8+$0x0], $0xffff;
	_ =	sdelay $0x1  }
0xbc: {  	v2 =	vadd.s32 $0x6000, v0;
	_ =	sdelay $0x3  }
0xbd: {  	[tilespmem:s11+$0xE000] =	vst v1  }
0xbe: {  	v1 =	vld.idx.msk [tilespmem:v2+s8+$0x0], $0xffff;
	_ =	sdelay $0x1  }
0xbf: {  	v2 =	vadd.s32 $0x6400, v0;
	_ =	sdelay $0x3  }
0xc0: {  	[tilespmem:s11+$0xE400] =	vst v1  }
0xc1: {  	v1 =	vld.idx.msk [tilespmem:v2+s8+$0x0], $0xffff;
	_ =	sdelay $0x1  }
0xc2: {  	v2 =	vadd.s32 $0x6800, v0;
	_ =	sdelay $0x3  }
0xc3: {  	[tilespmem:s11+$0xE800] =	vst v1  }
0xc4: {  	v1 =	vld.idx.msk [tilespmem:v2+s8+$0x0], $0xffff;
	_ =	sdelay $0x1  }
0xc5: {  	v2 =	vadd.s32 $0x6C00, v0;
	_ =	sdelay $0x3  }
0xc6: {  	[tilespmem:s11+$0xEC00] =	vst v1  }
0xc7: {  	v1 =	vld.idx.msk [tilespmem:v2+s8+$0x0], $0xffff;
	_ =	sdelay $0x1  }
0xc8: {  	v2 =	vadd.s32 $0x7000, v0;
	_ =	sdelay $0x3  }
0xc9: {  	[tilespmem:s11+$0xF000] =	vst v1  }
0xca: {  	v1 =	vld.idx.msk [tilespmem:v2+s8+$0x0], $0xffff;
	_ =	sdelay $0x1  }
0xcb: {  	v2 =	vadd.s32 $0x7400, v0;
	_ =	sdelay $0x3  }
0xcc: {  	[tilespmem:s11+$0xF400] =	vst v1  }
0xcd: {  	v1 =	vld.idx.msk [tilespmem:v2+s8+$0x0], $0xffff;
	_ =	sdelay $0x1  }
0xce: {  	v2 =	vadd.s32 $0x7800, v0;
	_ =	sdelay $0x3  }
0xcf: {  	[tilespmem:s11+$0xF800] =	vst v1  }
0xd0: {  	v1 =	vld.idx.msk [tilespmem:v2+s8+$0x0], $0xffff  }
.Ltmp0:
0xd1: {  	(pc) =	sbr.rel @p0 .LBB2_2-.Ltmp0, $2  }
0xd2: {  	v2 =	vadd.s32 $0x7C00, v0;
	_ =	sdelay $0x2  }
0xd3: {  	s13 =	sshra.s32 s12, $0x2;
	s12 =	sadd.s32 $0x40, s12  }
0xd4: {  	_ =	sdelay $0x1  }
0xd5: {  	v0 =	vld [tilespmem:s13+$0x0]  }
0xd6: {  	[tilespmem:s11+$0xFC00] =	vst v1  }
0xd7: {  	v1 =	vld.idx.msk [tilespmem:v2+s8+$0x0], $0xffff;
	_ =	sdelay $0x4  }
0xd8: {  	[tilespmem:s11+$0x10000] =	vst v1  }
0xd9: {  	v1 =	vld.idx.msk [tilespmem:v0+s8+$0x0], $0xffff  }
0xda: {  	v34 =	vadd.s32 $0x400, v0;
	_ =	sdelay $0x3  }
0xdb: {  	[tilespmem:s13+$0x8400] =	vst v1  }
0xdc: {  	v1 =	vld.idx.msk [tilespmem:v34+s8+$0x0], $0xffff  }
0xdd: {  	v35 =	vadd.s32 $0x800, v0;
	_ =	sdelay $0x3  }
0xde: {  	[tilespmem:s13+$0x8800] =	vst v1  }
0xdf: {  	v1 =	vld.idx.msk [tilespmem:v35+s8+$0x0], $0xffff  }
0xe0: {  	v36 =	vadd.s32 $0xC00, v0;
	_ =	sdelay $0x3  }
0xe1: {  	[tilespmem:s13+$0x8C00] =	vst v1  }
0xe2: {  	v1 =	vld.idx.msk [tilespmem:v36+s8+$0x0], $0xffff  }
0xe3: {  	v37 =	vadd.s32 $0x1000, v0;
	_ =	sdelay $0x3  }
0xe4: {  	[tilespmem:s13+$0x9000] =	vst v1  }
0xe5: {  	v1 =	vld.idx.msk [tilespmem:v37+s8+$0x0], $0xffff  }
0xe6: {  	v38 =	vadd.s32 $0x1400, v0;
	_ =	sdelay $0x3  }
0xe7: {  	[tilespmem:s13+$0x9400] =	vst v1  }
0xe8: {  	v1 =	vld.idx.msk [tilespmem:v38+s8+$0x0], $0xffff  }
0xe9: {  	v39 =	vadd.s32 $0x1800, v0;
	_ =	sdelay $0x3  }
0xea: {  	[tilespmem:s13+$0x9800] =	vst v1  }
0xeb: {  	v1 =	vld.idx.msk [tilespmem:v39+s8+$0x0], $0xffff  }
0xec: {  	v40 =	vadd.s32 $0x1C00, v0;
	_ =	sdelay $0x3  }
0xed: {  	[tilespmem:s13+$0x9C00] =	vst v1  }
0xee: {  	v1 =	vld.idx.msk [tilespmem:v40+s8+$0x0], $0xffff  }
0xef: {  	v41 =	vadd.s32 $0x2000, v0;
	_ =	sdelay $0x3  }
0xf0: {  	[tilespmem:s13+$0xA000] =	vst v1  }
0xf1: {  	v1 =	vld.idx.msk [tilespmem:v41+s8+$0x0], $0xffff  }
0xf2: {  	v42 =	vadd.s32 $0x2400, v0;
	_ =	sdelay $0x3  }
0xf3: {  	[tilespmem:s13+$0xA400] =	vst v1  }
0xf4: {  	v1 =	vld.idx.msk [tilespmem:v42+s8+$0x0], $0xffff  }
0xf5: {  	v43 =	vadd.s32 $0x2800, v0;
	_ =	sdelay $0x3  }
0xf6: {  	[tilespmem:s13+$0xA800] =	vst v1  }
0xf7: {  	v1 =	vld.idx.msk [tilespmem:v43+s8+$0x0], $0xffff  }
0xf8: {  	v44 =	vadd.s32 $0x2C00, v0;
	_ =	sdelay $0x3  }
0xf9: {  	[tilespmem:s13+$0xAC00] =	vst v1  }
0xfa: {  	v1 =	vld.idx.msk [tilespmem:v44+s8+$0x0], $0xffff  }
0xfb: {  	v45 =	vadd.s32 $0x3000, v0;
	_ =	sdelay $0x3  }
0xfc: {  	[tilespmem:s13+$0xB000] =	vst v1  }
0xfd: {  	v1 =	vld.idx.msk [tilespmem:v45+s8+$0x0], $0xffff  }
0xfe: {  	v46 =	vadd.s32 $0x3400, v0;
	_ =	sdelay $0x3  }
0xff: {  	[tilespmem:s13+$0xB400] =	vst v1  }
0x100: {  	v1 =	vld.idx.msk [tilespmem:v46+s8+$0x0], $0xffff  }
0x101: {  	v47 =	vadd.s32 $0x3800, v0;
	_ =	sdelay $0x3  }
0x102: {  	[tilespmem:s13+$0xB800] =	vst v1  }
0x103: {  	v1 =	vld.idx.msk [tilespmem:v47+s8+$0x0], $0xffff  }
0x104: {  	v48 =	vadd.s32 $0x3C00, v0;
	_ =	sdelay $0x3  }
0x105: {  	[tilespmem:s13+$0xBC00] =	vst v1  }
0x106: {  	v1 =	vld.idx.msk [tilespmem:v48+s8+$0x0], $0xffff  }
0x107: {  	v49 =	vadd.s32 $0x4000, v0;
	_ =	sdelay $0x3  }
0x108: {  	[tilespmem:s13+$0xC000] =	vst v1  }
0x109: {  	v1 =	vld.idx.msk [tilespmem:v49+s8+$0x0], $0xffff  }
0x10a: {  	v50 =	vadd.s32 $0x4400, v0;
	_ =	sdelay $0x3  }
0x10b: {  	[tilespmem:s13+$0xC400] =	vst v1  }
0x10c: {  	v1 =	vld.idx.msk [tilespmem:v50+s8+$0x0], $0xffff  }
0x10d: {  	v51 =	vadd.s32 $0x4800, v0;
	_ =	sdelay $0x3  }
0x10e: {  	[tilespmem:s13+$0xC800] =	vst v1  }
0x10f: {  	v1 =	vld.idx.msk [tilespmem:v51+s8+$0x0], $0xffff  }
0x110: {  	v52 =	vadd.s32 $0x4C00, v0;
	_ =	sdelay $0x3  }
0x111: {  	[tilespmem:s13+$0xCC00] =	vst v1  }
0x112: {  	v1 =	vld.idx.msk [tilespmem:v52+s8+$0x0], $0xffff  }
0x113: {  	v53 =	vadd.s32 $0x5000, v0;
	_ =	sdelay $0x3  }
0x114: {  	[tilespmem:s13+$0xD000] =	vst v1  }
0x115: {  	v1 =	vld.idx.msk [tilespmem:v53+s8+$0x0], $0xffff  }
0x116: {  	v54 =	vadd.s32 $0x5400, v0;
	_ =	sdelay $0x3  }
0x117: {  	[tilespmem:s13+$0xD400] =	vst v1  }
0x118: {  	v1 =	vld.idx.msk [tilespmem:v54+s8+$0x0], $0xffff  }
0x119: {  	v55 =	vadd.s32 $0x5800, v0;
	_ =	sdelay $0x3  }
0x11a: {  	[tilespmem:s13+$0xD800] =	vst v1  }
0x11b: {  	v1 =	vld.idx.msk [tilespmem:v55+s8+$0x0], $0xffff  }
0x11c: {  	v56 =	vadd.s32 $0x5C00, v0;
	_ =	sdelay $0x3  }
0x11d: {  	[tilespmem:s13+$0xDC00] =	vst v1  }
0x11e: {  	v1 =	vld.idx.msk [tilespmem:v56+s8+$0x0], $0xffff  }
0x11f: {  	v57 =	vadd.s32 $0x6000, v0;
	_ =	sdelay $0x3  }
0x120: {  	[tilespmem:s13+$0xE000] =	vst v1  }
0x121: {  	v1 =	vld.idx.msk [tilespmem:v57+s8+$0x0], $0xffff  }
0x122: {  	v58 =	vadd.s32 $0x6400, v0;
	_ =	sdelay $0x3  }
0x123: {  	[tilespmem:s13+$0xE400] =	vst v1  }
0x124: {  	v1 =	vld.idx.msk [tilespmem:v58+s8+$0x0], $0xffff  }
0x125: {  	v59 =	vadd.s32 $0x6800, v0;
	_ =	sdelay $0x3  }
0x126: {  	[tilespmem:s13+$0xE800] =	vst v1  }
0x127: {  	v1 =	vld.idx.msk [tilespmem:v59+s8+$0x0], $0xffff  }
0x128: {  	v60 =	vadd.s32 $0x6C00, v0;
	_ =	sdelay $0x3  }
0x129: {  	[tilespmem:s13+$0xEC00] =	vst v1  }
0x12a: {  	v1 =	vld.idx.msk [tilespmem:v60+s8+$0x0], $0xffff  }
0x12b: {  	v61 =	vadd.s32 $0x7000, v0;
	_ =	sdelay $0x3  }
0x12c: {  	[tilespmem:s13+$0xF000] =	vst v1  }
0x12d: {  	v1 =	vld.idx.msk [tilespmem:v61+s8+$0x0], $0xffff  }
0x12e: {  	v62 =	vadd.s32 $0x7400, v0;
	_ =	sdelay $0x3  }
0x12f: {  	[tilespmem:s13+$0xF400] =	vst v1  }
0x130: {  	v1 =	vld.idx.msk [tilespmem:v62+s8+$0x0], $0xffff  }
0x131: {  	v63 =	vadd.s32 $0x7800, v0;
	_ =	sdelay $0x3  }
0x132: {  	[tilespmem:s13+$0xF800] =	vst v1  }
0x133: {  	v1 =	vld.idx.msk [tilespmem:v63+s8+$0x0], $0xffff  }
0x134: {  	v0 =	vadd.s32 $0x7C00, v0;
	_ =	sdelay $0x3  }
0x135: {  	[tilespmem:s13+$0xFC00] =	vst v1  }
0x136: {  	v0 =	vld.idx.msk [tilespmem:v0+s8+$0x0], $0xffff;
	_ =	sdelay $0x2  }
0x137: {  	s10 =	sadd.s32 $0x1, s10  }
0x138: {  	p0 =	sne.s32 s10, s6  }
.Ltmp1:
0x139: {  	[tilespmem:s13+$0x10000] =	vst v0;
	(pc) =	sbr.rel @p0 .LBB2_1-.Ltmp1, $4  }
0x13a: {  	[hbm4b:s5+s2] =	stream.linear.scatter [tilespmem:s9], [sflag:$0x1], $0x8000, $0x38;
	[tilespmem:$0x10400] =	vst v63  }
0x13b: {  	_ =	swait.ge [sflag:s7], $0x8000  }
0x13c: {  	[sflag:s7] =	ssyncset.done $0x0  }
0x13d: {  	[sflag:s7] =	ssyncadd.s32 $0xFFFF8000  }
0x13e: {  	_ =	sfence.sel $0x180000  }
0x13f: {  	[bflag:$0x0] =	sbarrier.arrive $0xFFFF  }
0x140: {  	p0 =	sne.s32 s1, $0x0;
	_ =	strace $0x90000047  }
0x141: {  	s0 =	sadd.s32 @!p0 $0x100000, s0;
	[bflag:$0x2] =	sbarrier.arrive $0xFFFF  }
0x142: {  	[sflag:s0] =	ssyncadd.tile.s32 @!p0 $0x1;
	_ =	shalt  }
.Lfunc_end2:
_tile_overlayer_lowered:
.L_overlay_start_2:
0x143: {  	(tag) =	ssettag $0x2  }
0x144: {  	s0 =	rddreg [dreg:$0x0];
	s2 =	stileid.u32  }
0x145: {  	s1 =	rddreg [dreg:$0x1];
	p0 =	sne.s32 s2, $0x0  }
0x146: {  	s3 =	rddreg [dreg:$0x2];
	[bflag:$0x3] =	sbarrier.arrive $0xFFFF;
	s2 =	simm.s32 @!p0 $0x1C01  }
0x147: {  	[timem:s3], [sflag:s2] =	dma.local @!p0 [hbm:s0], s1  }
0x148: {  	s0 =	simm.s32 @!p0 $0x1  }
0x149: {  	_ =	swait.ge @!p0 [sflag:s0], s1  }
0x14a: {  	s1 =	ssub.s32 @!p0 $0x0, s1;
	[sflag:s0] =	ssyncset.done @!p0 $0x0  }
0x14b: {  	[sflag:s0] =	ssyncadd.s32 @!p0 s1  }
0x14c: {  	[bflag:$0x3] =	sbarrier.arrive $0xFFFF  }
0x14d: {  	_ =	shalt  }

</sc_bundles>
